<compile_context>
chip_gen: v7x
topology: tpu7x:2x2x1
jax: 0.10.2.dev20260603
libtpu: 0.0.44.dev20260713+nightly
codegen_flags: <defaults>
</compile_context>

<pallas_src>
import functools
import math

import jax
import jax.numpy as jnp
import numpy as np
from jax import lax
from jax.experimental import pallas as pl
from jax.experimental.pallas import tpu as pltpu
from jax.experimental.pallas import tpu_sc as plsc

NC = 2
NS = 16
F32 = jnp.float32
BF16 = jnp.bfloat16


def _lnrelu(z, g, be):
    mu = jnp.mean(z, axis=-1, keepdims=True)
    var = jnp.mean((z - mu) ** 2, axis=-1, keepdims=True)
    return jnp.maximum((z - mu) / jnp.sqrt(var + 1e-5) * g + be, 0.0)


def _node_pre_body(h_ref, w1_ref, ln_ref, w2_ref, b2_ref, td_ref):
    x = h_ref[...]
    z = jnp.dot(x, w1_ref[...], preferred_element_type=F32) + ln_ref[0:1]
    z = _lnrelu(z, ln_ref[1:2], ln_ref[2:3])
    q = jnp.dot(z, w2_ref[...], preferred_element_type=F32) + b2_ref[...]
    hb = jax.lax.bitcast_convert_type(x, jnp.int32)
    qb = jax.lax.bitcast_convert_type(q, jnp.int32)
    rh = hb + 0x7FFF + ((hb >> 16) & 1)
    rq = qb + 0x7FFF + ((qb >> 16) & 1)
    td_ref[...] = ((rh >> 16) & 0xFFFF) | (rq & jnp.int32(-65536))


def _edge_body(gd_ref, gs_ref, ef_ref, w1e_ref, w1i_ref, w1j_ref, lnkv_ref,
               w2k_ref, w2v_ref, b2_ref, hh_ref, pk0_ref, pk1_ref, p_ref,
               *, inv_sqrt_d):
    wd = gd_ref[...]
    ws = gs_ref[...]
    himask = jnp.int32(-65536)
    hi = jax.lax.bitcast_convert_type(wd << 16, F32).astype(BF16)
    qd = jax.lax.bitcast_convert_type(wd & himask, F32)
    hj = jax.lax.bitcast_convert_type(ws << 16, F32).astype(BF16)
    pre = (jnp.dot(hi, w1i_ref[...], preferred_element_type=F32)
           + jnp.dot(hj, w1j_ref[...], preferred_element_type=F32)
           + jnp.dot(ef_ref[...], w1e_ref[...], preferred_element_type=F32)
           + lnkv_ref[0:1])
    relk = _lnrelu(pre[:, :128], lnkv_ref[1:2, :128], lnkv_ref[2:3, :128])
    relv = _lnrelu(pre[:, 128:], lnkv_ref[1:2, 128:], lnkv_ref[2:3, 128:])
    k2 = (jnp.dot(relk.astype(BF16), w2k_ref[...], preferred_element_type=F32)
          + b2_ref[0:1])
    v2 = (jnp.dot(relv.astype(BF16), w2v_ref[...], preferred_element_type=F32)
          + b2_ref[1:2])
    qk = qd * k2
    lrep = jnp.dot(qk, hh_ref[...], preferred_element_type=F32) * inv_sqrt_d
    ex = jnp.exp(lrep)
    wv = ex * v2
    p_ref[0, :, :64] = wv[:, :64]
    p_ref[0, :, 64:] = jnp.dot(ex, pk0_ref[...], preferred_element_type=F32)
    p_ref[1, :, :64] = wv[:, 64:]
    p_ref[1, :, 64:] = jnp.dot(ex, pk1_ref[...], preferred_element_type=F32)


def _final_body(a0_ref, a1_ref, h_ref, m0_ref, m1_ref, u0_ref, u1_ref,
                woa_ref, woh_ref, lno_ref, wo2_ref, b2o_ref, o_ref):
    a0 = a0_ref[0]
    a1 = a1_ref[0]
    sden = (jnp.dot(a0, m0_ref[...], preferred_element_type=F32)
            + jnp.dot(a1, m1_ref[...], preferred_element_type=F32) + 1e-16)
    u = (jnp.dot(a0, u0_ref[...], preferred_element_type=F32)
         + jnp.dot(a1, u1_ref[...], preferred_element_type=F32))
    aggr = u / sden
    z = (jnp.dot(aggr, woa_ref[...], preferred_element_type=F32)
         + jnp.dot(h_ref[...], woh_ref[...], preferred_element_type=F32)
         + lno_ref[0:1])
    z = _lnrelu(z, lno_ref[1:2], lno_ref[2:3])
    o_ref[...] = jnp.dot(z, wo2_ref[...], preferred_element_type=F32) + b2o_ref[...]


def kernel(h, edge_feat, edge_index, hk_params, hv_params, hq_params, out_params):
    n, in_dim = h.shape
    e, edge_dim = edge_feat.shape
    hid = 128
    heads, d_head = 4, 32

    src = edge_index[0]
    dst = edge_index[1]

    w1k, b1k, gk, bek, w2k, b2k = hk_params
    w1v, b1v, gv, bev, w2v, b2v = hv_params
    w1q, b1q, gq, beq, w2q, b2q = hq_params
    wo1, b1o, go, beo, wo2, b2o = out_params

    lnq = jnp.stack([b1q, gq, beq])
    w1e = jnp.concatenate([w1k[:edge_dim], w1v[:edge_dim]], axis=1)
    w1i = jnp.concatenate([w1k[edge_dim:edge_dim + in_dim],
                           w1v[edge_dim:edge_dim + in_dim]], axis=1)
    w1j = jnp.concatenate([w1k[edge_dim + in_dim:],
                           w1v[edge_dim + in_dim:]], axis=1)
    lnkv = jnp.stack([jnp.concatenate([b1k, b1v]),
                      jnp.concatenate([gk, gv]),
                      jnp.concatenate([bek, bev])])
    w1i = w1i.astype(BF16)
    w1j = w1j.astype(BF16)
    w2kb = w2k.astype(BF16)
    w2vb = w2v.astype(BF16)
    b2kv = jnp.stack([b2k, b2v])
    lno = jnp.stack([b1o, go, beo])

    hh = jnp.asarray((np.arange(hid)[:, None] // d_head
                      == np.arange(hid)[None, :] // d_head), F32)
    pk0 = np.zeros((hid, 64), np.float32)
    pk0[0, 0] = 1.0
    pk0[32, 1] = 1.0
    pk1 = np.zeros((hid, 64), np.float32)
    pk1[64, 0] = 1.0
    pk1[96, 1] = 1.0
    m0 = np.zeros((hid, hid), np.float32)
    m0[64, 0:32] = 1.0
    m0[65, 32:64] = 1.0
    m1 = np.zeros((hid, hid), np.float32)
    m1[64, 64:96] = 1.0
    m1[65, 96:128] = 1.0
    u0 = np.zeros((hid, hid), np.float32)
    u0[np.arange(64), np.arange(64)] = 1.0
    u1 = np.zeros((hid, hid), np.float32)
    u1[np.arange(64), np.arange(64) + 64] = 1.0
    pk0, pk1, m0, m1, u0, u1 = map(jnp.asarray, (pk0, pk1, m0, m1, u0, u1))

    bn = 1000
    td = pl.pallas_call(
        _node_pre_body,
        grid=(n // bn,),
        in_specs=[
            pl.BlockSpec((bn, in_dim), lambda i: (i, 0)),
            pl.BlockSpec((in_dim, hid), lambda i: (0, 0)),
            pl.BlockSpec((3, hid), lambda i: (0, 0)),
            pl.BlockSpec((hid, hid), lambda i: (0, 0)),
            pl.BlockSpec((1, hid), lambda i: (0, 0)),
        ],
        out_specs=pl.BlockSpec((bn, hid), lambda i: (i, 0)),
        out_shape=jax.ShapeDtypeStruct((n, hid), jnp.int32),
    )(h, w1q, lnq, w2q, b2q.reshape(1, -1))

    nw = NC * NS
    e_per_w = e // nw
    cg = 80
    n_chunks = e_per_w // cg
    td_w = in_dim + hid

    mesh = plsc.VectorSubcoreMesh(core_axis_name="c", subcore_axis_name="s")

    @functools.partial(
        pl.kernel,
        out_type=(jax.ShapeDtypeStruct((e, td_w // 2), jnp.int32),
                  jax.ShapeDtypeStruct((e, td_w // 2), jnp.int32)),
        mesh=mesh,
        scratch_types=[
            pltpu.VMEM((cg,), jnp.int32),
            pltpu.VMEM((cg,), jnp.int32),
            pltpu.VMEM((cg, td_w // 2), jnp.int32),
            pltpu.VMEM((cg, td_w // 2), jnp.int32),
            pltpu.SemaphoreType.DMA,
            pltpu.SemaphoreType.DMA,
        ],
    )
    def _gather(td_hbm, dst_hbm, src_hbm, gd_hbm, gs_hbm,
                di_v, si_v, dr_v, sr_v, sem_d, sem_s):
        wid = lax.axis_index("c") * NS + lax.axis_index("s")
        base0 = wid * e_per_w

        def body(j, carry):
            base = base0 + j * cg
            pltpu.sync_copy(dst_hbm.at[pl.ds(base, cg)], di_v)
            pltpu.sync_copy(src_hbm.at[pl.ds(base, cg)], si_v)
            cd = pltpu.async_copy(td_hbm.at[di_v], dr_v, sem_d)
            cs = pltpu.async_copy(td_hbm.at[si_v], sr_v, sem_s)
            cd.wait()
            cs.wait()
            pltpu.sync_copy(dr_v, gd_hbm.at[pl.ds(base, cg)])
            pltpu.sync_copy(sr_v, gs_hbm.at[pl.ds(base, cg)])
            return carry

        lax.fori_loop(0, n_chunks, body, 0)

    gd, gs = _gather(td, dst, src)

    be_blk = 1024
    payload = pl.pallas_call(
        functools.partial(_edge_body, inv_sqrt_d=1.0 / math.sqrt(d_head)),
        grid=(e // be_blk,),
        in_specs=[
            pl.BlockSpec((be_blk, td_w // 2), lambda i: (i, 0)),
            pl.BlockSpec((be_blk, td_w // 2), lambda i: (i, 0)),
            pl.BlockSpec((be_blk, edge_dim), lambda i: (i, 0)),
            pl.BlockSpec((edge_dim, 2 * hid), lambda i: (0, 0)),
            pl.BlockSpec((in_dim, 2 * hid), lambda i: (0, 0)),
            pl.BlockSpec((in_dim, 2 * hid), lambda i: (0, 0)),
            pl.BlockSpec((3, 2 * hid), lambda i: (0, 0)),
            pl.BlockSpec((hid, hid), lambda i: (0, 0)),
            pl.BlockSpec((hid, hid), lambda i: (0, 0)),
            pl.BlockSpec((2, hid), lambda i: (0, 0)),
            pl.BlockSpec((hid, hid), lambda i: (0, 0)),
            pl.BlockSpec((hid, 64), lambda i: (0, 0)),
            pl.BlockSpec((hid, 64), lambda i: (0, 0)),
        ],
        out_specs=pl.BlockSpec((NC, be_blk, hid), lambda i: (0, i, 0)),
        out_shape=jax.ShapeDtypeStruct((NC, e, hid), F32),
    )(gd, gs, edge_feat, w1e, w1i, w1j, lnkv, w2kb, w2vb, b2kv, hh, pk0, pk1)

    n_pad = 10240
    rows_per_tile = n_pad // NS
    e_per_tile = e // NS
    nsc_chunks = e_per_tile // cg
    zeros_acc = jnp.zeros((n_pad, hid), F32)

    @functools.partial(
        pl.kernel,
        out_type=jax.ShapeDtypeStruct((NC, n_pad, hid), F32),
        mesh=mesh,
        scratch_types=[
            pltpu.VMEM((cg,), jnp.int32),
            pltpu.VMEM((cg, hid), F32),
            pltpu.VMEM_SHARED((n_pad, hid), F32),
        ],
    )
    def _scatter(p_hbm, dst_hbm, zero_hbm, a_hbm, idx_v, upd_v, acc_sh):
        c = lax.axis_index("c")
        s = lax.axis_index("s")
        pltpu.sync_copy(zero_hbm.at[pl.ds(0, cg)], upd_v)
        for r in range(rows_per_tile // cg):
            pltpu.sync_copy(
                upd_v, acc_sh.at[pl.ds(s * rows_per_tile + r * cg, cg)])
        plsc.subcore_barrier()
        base0 = s * e_per_tile

        def body(j, carry):
            base = base0 + j * cg
            pltpu.sync_copy(dst_hbm.at[pl.ds(base, cg)], idx_v)
            pltpu.sync_copy(p_hbm.at[c, pl.ds(base, cg)], upd_v)
            pltpu.sync_copy(upd_v, acc_sh.at[idx_v], add=True)
            return carry

        lax.fori_loop(0, nsc_chunks, body, 0)
        plsc.subcore_barrier()
        for r in range(rows_per_tile // cg):
            pltpu.sync_copy(
                acc_sh.at[pl.ds(s * rows_per_tile + r * cg, cg)], upd_v)
            pltpu.sync_copy(
                upd_v, a_hbm.at[c, pl.ds(s * rows_per_tile + r * cg, cg)])

    acc = _scatter(payload, dst, zeros_acc)

    out = pl.pallas_call(
        _final_body,
        grid=(n // bn,),
        in_specs=[
            pl.BlockSpec((1, bn, hid), lambda i: (0, i, 0)),
            pl.BlockSpec((1, bn, hid), lambda i: (1, i, 0)),
            pl.BlockSpec((bn, in_dim), lambda i: (i, 0)),
            pl.BlockSpec((hid, hid), lambda i: (0, 0)),
            pl.BlockSpec((hid, hid), lambda i: (0, 0)),
            pl.BlockSpec((hid, hid), lambda i: (0, 0)),
            pl.BlockSpec((hid, hid), lambda i: (0, 0)),
            pl.BlockSpec((hid, hid), lambda i: (0, 0)),
            pl.BlockSpec((hid, hid), lambda i: (0, 0)),
            pl.BlockSpec((3, hid), lambda i: (0, 0)),
            pl.BlockSpec((hid, hid), lambda i: (0, 0)),
            pl.BlockSpec((1, hid), lambda i: (0, 0)),
        ],
        out_specs=pl.BlockSpec((bn, hid), lambda i: (i, 0)),
        out_shape=jax.ShapeDtypeStruct((n, hid), F32),
    )(acc, acc, h, m0, m1, u0, u1, wo1[:hid], wo1[hid:], lno,
      wo2, b2o.reshape(1, -1))
    return out

# --- scband reference (transcript-rebuilt; emitter-appended) ---
"""Pipeline reference for scband-node-update-layer-16020228014616 (READ-ONLY COPY).

The authoritative reference and input builder live on the scoring server;
editing this copy changes nothing except your own understanding.
"""

import jax, jax.numpy as jnp
import numpy as np

N = 10000
E = 320000
IN_DIM = 128
EDGE_DIM = 16
HID = 128
OUT = 128
HEADS = 4
D_HEAD = OUT // HEADS


def _mlp_params(key, in_dim, out_dim, hid):
    k1, k2 = jax.random.split(key)
    w1 = jax.random.normal(k1, (in_dim, hid), dtype=jnp.float32) / np.sqrt(in_dim)
    b1 = jnp.zeros((hid,), jnp.float32)
    g = jnp.ones((hid,), jnp.float32)
    be = jnp.zeros((hid,), jnp.float32)
    w2 = jax.random.normal(k2, (hid, out_dim), dtype=jnp.float32) / np.sqrt(hid)
    b2 = jnp.zeros((out_dim,), jnp.float32)
    return (w1, b1, g, be, w2, b2)


def _mlp(p, x):
    # Linear -> LayerNorm -> ReLU -> Linear (MLP(in, out, hidden, norm=True, act_fn='relu'))
    w1, b1, g, be, w2, b2 = p
    h = x @ w1 + b1
    mu = jnp.mean(h, axis=-1, keepdims=True)
    var = jnp.var(h, axis=-1, keepdims=True)
    h = (h - mu) / jnp.sqrt(var + 1e-5) * g + be
    h = jax.nn.relu(h)
    return h @ w2 + b2


def _segment_softmax(scores, seg, num_segments):
    m = jax.ops.segment_max(scores, seg, num_segments)
    m = jnp.where(jnp.isfinite(m), m, 0.0)
    ex = jnp.exp(scores - m[seg])
    s = jax.ops.segment_sum(ex, seg, num_segments)
    return ex / (s[seg] + 1e-16)


def setup_inputs(seed: int = 0) -> dict:
    key = jax.random.key(seed)
    ks = jax.random.split(key, 8)
    h = jax.random.normal(ks[0], (N, IN_DIM), dtype=jnp.float32)
    edge_feat = jax.random.normal(ks[1], (E, EDGE_DIM), dtype=jnp.float32)
    edge_index = jax.random.randint(ks[2], (2, E), 0, N, dtype=jnp.int32)
    kv_in = IN_DIM * 2 + EDGE_DIM
    hk_params = _mlp_params(ks[3], kv_in, OUT, HID)
    hv_params = _mlp_params(ks[4], kv_in, OUT, HID)
    hq_params = _mlp_params(ks[5], IN_DIM, OUT, HID)
    out_params = _mlp_params(ks[6], 2 * HID, HID, HID)
    return {
        "h": h,
        "edge_feat": edge_feat,
        "edge_index": edge_index,
        "hk_params": hk_params,
        "hv_params": hv_params,
        "hq_params": hq_params,
        "out_params": out_params,
    }


def reference(h, edge_feat, edge_index, hk_params, hv_params, hq_params, out_params):
    src = edge_index[0]
    dst = edge_index[1]
    hi = h[dst]
    hj = h[src]
    kv_input = jnp.concatenate([edge_feat, hi, hj], axis=-1)
    k = _mlp(hk_params, kv_input).reshape(-1, HEADS, D_HEAD)
    v = _mlp(hv_params, kv_input)  # e_w is None -> multiply by 1.0
    v = v.reshape(-1, HEADS, D_HEAD)
    q = _mlp(hq_params, h).reshape(-1, HEADS, D_HEAD)
    alpha_logits = (q[dst] * k / np.sqrt(D_HEAD)).sum(-1)  # [E, HEADS]
    alpha = _segment_softmax(alpha_logits, dst, N)
    m = alpha[..., None] * v  # [E, HEADS, D_HEAD]
    output = jax.ops.segment_sum(m, dst, N)
    output = output.reshape(-1, OUT)
    output = _mlp(out_params, jnp.concatenate([output, h], axis=-1))
    return output

if __name__ == "__main__":
    import jax
    _d = setup_inputs()
    print(jax.jit(kernel)(*tuple(_d.values())))

</pallas_src>

<mosaic_0001>
#map = affine_map<(d0, d1) -> (0, 0, 0)>
#map1 = affine_map<(d0, d1) -> (0)>
#map2 = affine_map<(d0, d1) -> (0, 0)>
module attributes {stable_mosaic.version = 14 : i64} {
  func.func @_scatter(%arg0: i32, %arg1: i32, %arg2: memref<2x320000x128xf32, #tpu.memory_space<hbm>>, %arg3: memref<320000xi32, #tpu.memory_space<hbm>>, %arg4: memref<10240x128xf32, #tpu.memory_space<hbm>>, %arg5: memref<2x10240x128xf32, #tpu.memory_space<hbm>>, %arg6: memref<80xi32, #tpu.memory_space<vmem>>, %arg7: memref<80x128xf32, #tpu.memory_space<vmem>>, %arg8: memref<10240x128xf32, #tpu.memory_space<vmem_shared>>) attributes {dimension_semantics = [#tpu.dimension_semantics<core_parallel>, #tpu.dimension_semantics<subcore_parallel>], iteration_bounds = array<i64: 2, 16>, scalar_prefetch = 0 : i64, scratch_operands = 3 : i64, tpu.core_type = #tpu.core_type<sc_vector_subcore>, window_params = [{transform_indices = #map}, {transform_indices = #map1}, {transform_indices = #map2}, {transform_indices = #map}]} {
    "tpu.region"() ({
      %run_scoped3A = tpu.sem_alloc : memref<!tpu.dma_semaphore, #tpu.memory_space<semaphore_mem>>
      %dma_start3A = arith.constant 0 : i32
      %dma_start3A_102 = arith.constant 0 : i32
      %dma_start3A_103 = tpu.memref_slice %arg4[%dma_start3A, %dma_start3A_102] : memref<10240x128xf32, #tpu.memory_space<hbm>> -> memref<80x128xf32, #tpu.memory_space<hbm>>
      %dma_start3A_104 = arith.constant 0 : i32
      %dma_start3A_105 = arith.constant 0 : i32
      %dma_start3A_106 = tpu.memref_slice %arg4[%dma_start3A_104, %dma_start3A_105] : memref<10240x128xf32, #tpu.memory_space<hbm>> -> memref<80x128xf32, #tpu.memory_space<hbm>>
      tpu.enqueue_dma source(%dma_start3A_106 : memref<80x128xf32, #tpu.memory_space<hbm>>) target(%arg7 : memref<80x128xf32, #tpu.memory_space<vmem>>) target_semaphore(%run_scoped3A : memref<!tpu.dma_semaphore, #tpu.memory_space<semaphore_mem>>)
      %dma_wait3A = arith.constant 0 : i32
      %dma_wait3A_107 = arith.constant 0 : i32
      %dma_wait3A_108 = tpu.memref_slice %arg4[%dma_wait3A, %dma_wait3A_107] : memref<10240x128xf32, #tpu.memory_space<hbm>> -> memref<80x128xf32, #tpu.memory_space<hbm>>
      %dma_wait3A_109 = arith.constant 0 : i32
      %dma_wait3A_110 = arith.constant 0 : i32
      %dma_wait3A_111 = tpu.memref_slice %arg4[%dma_wait3A_109, %dma_wait3A_110] : memref<10240x128xf32, #tpu.memory_space<hbm>> -> memref<80x128xf32, #tpu.memory_space<hbm>>
      tpu.wait_dma2 semaphore(%run_scoped3A : memref<!tpu.dma_semaphore, #tpu.memory_space<semaphore_mem>>) src(%dma_wait3A_111 : memref<80x128xf32, #tpu.memory_space<hbm>>) dst(%arg7 : memref<80x128xf32, #tpu.memory_space<vmem>>)
      tpu.yield
    }) : () -> ()
    %mul3A = arith.constant 640 : i32
    %mul3A_0 = arith.muli %arg1, %mul3A : i32
    %add3A = arith.constant 0 : i32
    %add3A_1 = arith.addi %mul3A_0, %add3A : i32
    "tpu.region"() ({
      %run_scoped3A = tpu.sem_alloc : memref<!tpu.dma_semaphore, #tpu.memory_space<semaphore_mem>>
      %dma_start3A = arith.constant 0 : i32
      %dma_start3A_102 = tpu.memref_slice %arg8[%add3A_1, %dma_start3A] : memref<10240x128xf32, #tpu.memory_space<vmem_shared>> -> memref<80x128xf32, #tpu.memory_space<vmem_shared>>
      %dma_start3A_103 = arith.constant 0 : i32
      %dma_start3A_104 = tpu.memref_slice %arg8[%add3A_1, %dma_start3A_103] : memref<10240x128xf32, #tpu.memory_space<vmem_shared>> -> memref<80x128xf32, #tpu.memory_space<vmem_shared>>
      tpu.enqueue_dma source(%arg7 : memref<80x128xf32, #tpu.memory_space<vmem>>) target(%dma_start3A_104 : memref<80x128xf32, #tpu.memory_space<vmem_shared>>) target_semaphore(%run_scoped3A : memref<!tpu.dma_semaphore, #tpu.memory_space<semaphore_mem>>)
      %dma_wait3A = arith.constant 0 : i32
      %dma_wait3A_105 = tpu.memref_slice %arg8[%add3A_1, %dma_wait3A] : memref<10240x128xf32, #tpu.memory_space<vmem_shared>> -> memref<80x128xf32, #tpu.memory_space<vmem_shared>>
      %dma_wait3A_106 = arith.constant 0 : i32
      %dma_wait3A_107 = tpu.memref_slice %arg8[%add3A_1, %dma_wait3A_106] : memref<10240x128xf32, #tpu.memory_space<vmem_shared>> -> memref<80x128xf32, #tpu.memory_space<vmem_shared>>
      tpu.wait_dma2 semaphore(%run_scoped3A : memref<!tpu.dma_semaphore, #tpu.memory_space<semaphore_mem>>) src(%arg7 : memref<80x128xf32, #tpu.memory_space<vmem>>) dst(%dma_wait3A_107 : memref<80x128xf32, #tpu.memory_space<vmem_shared>>)
      tpu.yield
    }) : () -> ()
    %mul3A_2 = arith.constant 640 : i32
    %mul3A_3 = arith.muli %arg1, %mul3A_2 : i32
    %add3A_4 = arith.constant 80 : i32
    %add3A_5 = arith.addi %mul3A_3, %add3A_4 : i32
    "tpu.region"() ({
      %run_scoped3A = tpu.sem_alloc : memref<!tpu.dma_semaphore, #tpu.memory_space<semaphore_mem>>
      %dma_start3A = arith.constant 0 : i32
      %dma_start3A_102 = tpu.memref_slice %arg8[%add3A_5, %dma_start3A] : memref<10240x128xf32, #tpu.memory_space<vmem_shared>> -> memref<80x128xf32, #tpu.memory_space<vmem_shared>>
      %dma_start3A_103 = arith.constant 0 : i32
      %dma_start3A_104 = tpu.memref_slice %arg8[%add3A_5, %dma_start3A_103] : memref<10240x128xf32, #tpu.memory_space<vmem_shared>> -> memref<80x128xf32, #tpu.memory_space<vmem_shared>>
      tpu.enqueue_dma source(%arg7 : memref<80x128xf32, #tpu.memory_space<vmem>>) target(%dma_start3A_104 : memref<80x128xf32, #tpu.memory_space<vmem_shared>>) target_semaphore(%run_scoped3A : memref<!tpu.dma_semaphore, #tpu.memory_space<semaphore_mem>>)
      %dma_wait3A = arith.constant 0 : i32
      %dma_wait3A_105 = tpu.memref_slice %arg8[%add3A_5, %dma_wait3A] : memref<10240x128xf32, #tpu.memory_space<vmem_shared>> -> memref<80x128xf32, #tpu.memory_space<vmem_shared>>
      %dma_wait3A_106 = arith.constant 0 : i32
      %dma_wait3A_107 = tpu.memref_slice %arg8[%add3A_5, %dma_wait3A_106] : memref<10240x128xf32, #tpu.memory_space<vmem_shared>> -> memref<80x128xf32, #tpu.memory_space<vmem_shared>>
      tpu.wait_dma2 semaphore(%run_scoped3A : memref<!tpu.dma_semaphore, #tpu.memory_space<semaphore_mem>>) src(%arg7 : memref<80x128xf32, #tpu.memory_space<vmem>>) dst(%dma_wait3A_107 : memref<80x128xf32, #tpu.memory_space<vmem_shared>>)
      tpu.yield
    }) : () -> ()
    %mul3A_6 = arith.constant 640 : i32
    %mul3A_7 = arith.muli %arg1, %mul3A_6 : i32
    %add3A_8 = arith.constant 160 : i32
    %add3A_9 = arith.addi %mul3A_7, %add3A_8 : i32
    "tpu.region"() ({
      %run_scoped3A = tpu.sem_alloc : memref<!tpu.dma_semaphore, #tpu.memory_space<semaphore_mem>>
      %dma_start3A = arith.constant 0 : i32
      %dma_start3A_102 = tpu.memref_slice %arg8[%add3A_9, %dma_start3A] : memref<10240x128xf32, #tpu.memory_space<vmem_shared>> -> memref<80x128xf32, #tpu.memory_space<vmem_shared>>
      %dma_start3A_103 = arith.constant 0 : i32
      %dma_start3A_104 = tpu.memref_slice %arg8[%add3A_9, %dma_start3A_103] : memref<10240x128xf32, #tpu.memory_space<vmem_shared>> -> memref<80x128xf32, #tpu.memory_space<vmem_shared>>
      tpu.enqueue_dma source(%arg7 : memref<80x128xf32, #tpu.memory_space<vmem>>) target(%dma_start3A_104 : memref<80x128xf32, #tpu.memory_space<vmem_shared>>) target_semaphore(%run_scoped3A : memref<!tpu.dma_semaphore, #tpu.memory_space<semaphore_mem>>)
      %dma_wait3A = arith.constant 0 : i32
      %dma_wait3A_105 = tpu.memref_slice %arg8[%add3A_9, %dma_wait3A] : memref<10240x128xf32, #tpu.memory_space<vmem_shared>> -> memref<80x128xf32, #tpu.memory_space<vmem_shared>>
      %dma_wait3A_106 = arith.constant 0 : i32
      %dma_wait3A_107 = tpu.memref_slice %arg8[%add3A_9, %dma_wait3A_106] : memref<10240x128xf32, #tpu.memory_space<vmem_shared>> -> memref<80x128xf32, #tpu.memory_space<vmem_shared>>
      tpu.wait_dma2 semaphore(%run_scoped3A : memref<!tpu.dma_semaphore, #tpu.memory_space<semaphore_mem>>) src(%arg7 : memref<80x128xf32, #tpu.memory_space<vmem>>) dst(%dma_wait3A_107 : memref<80x128xf32, #tpu.memory_space<vmem_shared>>)
      tpu.yield
    }) : () -> ()
    %mul3A_10 = arith.constant 640 : i32
    %mul3A_11 = arith.muli %arg1, %mul3A_10 : i32
    %add3A_12 = arith.constant 240 : i32
    %add3A_13 = arith.addi %mul3A_11, %add3A_12 : i32
    "tpu.region"() ({
      %run_scoped3A = tpu.sem_alloc : memref<!tpu.dma_semaphore, #tpu.memory_space<semaphore_mem>>
      %dma_start3A = arith.constant 0 : i32
      %dma_start3A_102 = tpu.memref_slice %arg8[%add3A_13, %dma_start3A] : memref<10240x128xf32, #tpu.memory_space<vmem_shared>> -> memref<80x128xf32, #tpu.memory_space<vmem_shared>>
      %dma_start3A_103 = arith.constant 0 : i32
      %dma_start3A_104 = tpu.memref_slice %arg8[%add3A_13, %dma_start3A_103] : memref<10240x128xf32, #tpu.memory_space<vmem_shared>> -> memref<80x128xf32, #tpu.memory_space<vmem_shared>>
      tpu.enqueue_dma source(%arg7 : memref<80x128xf32, #tpu.memory_space<vmem>>) target(%dma_start3A_104 : memref<80x128xf32, #tpu.memory_space<vmem_shared>>) target_semaphore(%run_scoped3A : memref<!tpu.dma_semaphore, #tpu.memory_space<semaphore_mem>>)
      %dma_wait3A = arith.constant 0 : i32
      %dma_wait3A_105 = tpu.memref_slice %arg8[%add3A_13, %dma_wait3A] : memref<10240x128xf32, #tpu.memory_space<vmem_shared>> -> memref<80x128xf32, #tpu.memory_space<vmem_shared>>
      %dma_wait3A_106 = arith.constant 0 : i32
      %dma_wait3A_107 = tpu.memref_slice %arg8[%add3A_13, %dma_wait3A_106] : memref<10240x128xf32, #tpu.memory_space<vmem_shared>> -> memref<80x128xf32, #tpu.memory_space<vmem_shared>>
      tpu.wait_dma2 semaphore(%run_scoped3A : memref<!tpu.dma_semaphore, #tpu.memory_space<semaphore_mem>>) src(%arg7 : memref<80x128xf32, #tpu.memory_space<vmem>>) dst(%dma_wait3A_107 : memref<80x128xf32, #tpu.memory_space<vmem_shared>>)
      tpu.yield
    }) : () -> ()
    %mul3A_14 = arith.constant 640 : i32
    %mul3A_15 = arith.muli %arg1, %mul3A_14 : i32
    %add3A_16 = arith.constant 320 : i32
    %add3A_17 = arith.addi %mul3A_15, %add3A_16 : i32
    "tpu.region"() ({
      %run_scoped3A = tpu.sem_alloc : memref<!tpu.dma_semaphore, #tpu.memory_space<semaphore_mem>>
      %dma_start3A = arith.constant 0 : i32
      %dma_start3A_102 = tpu.memref_slice %arg8[%add3A_17, %dma_start3A] : memref<10240x128xf32, #tpu.memory_space<vmem_shared>> -> memref<80x128xf32, #tpu.memory_space<vmem_shared>>
      %dma_start3A_103 = arith.constant 0 : i32
      %dma_start3A_104 = tpu.memref_slice %arg8[%add3A_17, %dma_start3A_103] : memref<10240x128xf32, #tpu.memory_space<vmem_shared>> -> memref<80x128xf32, #tpu.memory_space<vmem_shared>>
      tpu.enqueue_dma source(%arg7 : memref<80x128xf32, #tpu.memory_space<vmem>>) target(%dma_start3A_104 : memref<80x128xf32, #tpu.memory_space<vmem_shared>>) target_semaphore(%run_scoped3A : memref<!tpu.dma_semaphore, #tpu.memory_space<semaphore_mem>>)
      %dma_wait3A = arith.constant 0 : i32
      %dma_wait3A_105 = tpu.memref_slice %arg8[%add3A_17, %dma_wait3A] : memref<10240x128xf32, #tpu.memory_space<vmem_shared>> -> memref<80x128xf32, #tpu.memory_space<vmem_shared>>
      %dma_wait3A_106 = arith.constant 0 : i32
      %dma_wait3A_107 = tpu.memref_slice %arg8[%add3A_17, %dma_wait3A_106] : memref<10240x128xf32, #tpu.memory_space<vmem_shared>> -> memref<80x128xf32, #tpu.memory_space<vmem_shared>>
      tpu.wait_dma2 semaphore(%run_scoped3A : memref<!tpu.dma_semaphore, #tpu.memory_space<semaphore_mem>>) src(%arg7 : memref<80x128xf32, #tpu.memory_space<vmem>>) dst(%dma_wait3A_107 : memref<80x128xf32, #tpu.memory_space<vmem_shared>>)
      tpu.yield
    }) : () -> ()
    %mul3A_18 = arith.constant 640 : i32
    %mul3A_19 = arith.muli %arg1, %mul3A_18 : i32
    %add3A_20 = arith.constant 400 : i32
    %add3A_21 = arith.addi %mul3A_19, %add3A_20 : i32
    "tpu.region"() ({
      %run_scoped3A = tpu.sem_alloc : memref<!tpu.dma_semaphore, #tpu.memory_space<semaphore_mem>>
      %dma_start3A = arith.constant 0 : i32
      %dma_start3A_102 = tpu.memref_slice %arg8[%add3A_21, %dma_start3A] : memref<10240x128xf32, #tpu.memory_space<vmem_shared>> -> memref<80x128xf32, #tpu.memory_space<vmem_shared>>
      %dma_start3A_103 = arith.constant 0 : i32
      %dma_start3A_104 = tpu.memref_slice %arg8[%add3A_21, %dma_start3A_103] : memref<10240x128xf32, #tpu.memory_space<vmem_shared>> -> memref<80x128xf32, #tpu.memory_space<vmem_shared>>
      tpu.enqueue_dma source(%arg7 : memref<80x128xf32, #tpu.memory_space<vmem>>) target(%dma_start3A_104 : memref<80x128xf32, #tpu.memory_space<vmem_shared>>) target_semaphore(%run_scoped3A : memref<!tpu.dma_semaphore, #tpu.memory_space<semaphore_mem>>)
      %dma_wait3A = arith.constant 0 : i32
      %dma_wait3A_105 = tpu.memref_slice %arg8[%add3A_21, %dma_wait3A] : memref<10240x128xf32, #tpu.memory_space<vmem_shared>> -> memref<80x128xf32, #tpu.memory_space<vmem_shared>>
      %dma_wait3A_106 = arith.constant 0 : i32
      %dma_wait3A_107 = tpu.memref_slice %arg8[%add3A_21, %dma_wait3A_106] : memref<10240x128xf32, #tpu.memory_space<vmem_shared>> -> memref<80x128xf32, #tpu.memory_space<vmem_shared>>
      tpu.wait_dma2 semaphore(%run_scoped3A : memref<!tpu.dma_semaphore, #tpu.memory_space<semaphore_mem>>) src(%arg7 : memref<80x128xf32, #tpu.memory_space<vmem>>) dst(%dma_wait3A_107 : memref<80x128xf32, #tpu.memory_space<vmem_shared>>)
      tpu.yield
    }) : () -> ()
    %mul3A_22 = arith.constant 640 : i32
    %mul3A_23 = arith.muli %arg1, %mul3A_22 : i32
    %add3A_24 = arith.constant 480 : i32
    %add3A_25 = arith.addi %mul3A_23, %add3A_24 : i32
    "tpu.region"() ({
      %run_scoped3A = tpu.sem_alloc : memref<!tpu.dma_semaphore, #tpu.memory_space<semaphore_mem>>
      %dma_start3A = arith.constant 0 : i32
      %dma_start3A_102 = tpu.memref_slice %arg8[%add3A_25, %dma_start3A] : memref<10240x128xf32, #tpu.memory_space<vmem_shared>> -> memref<80x128xf32, #tpu.memory_space<vmem_shared>>
      %dma_start3A_103 = arith.constant 0 : i32
      %dma_start3A_104 = tpu.memref_slice %arg8[%add3A_25, %dma_start3A_103] : memref<10240x128xf32, #tpu.memory_space<vmem_shared>> -> memref<80x128xf32, #tpu.memory_space<vmem_shared>>
      tpu.enqueue_dma source(%arg7 : memref<80x128xf32, #tpu.memory_space<vmem>>) target(%dma_start3A_104 : memref<80x128xf32, #tpu.memory_space<vmem_shared>>) target_semaphore(%run_scoped3A : memref<!tpu.dma_semaphore, #tpu.memory_space<semaphore_mem>>)
      %dma_wait3A = arith.constant 0 : i32
      %dma_wait3A_105 = tpu.memref_slice %arg8[%add3A_25, %dma_wait3A] : memref<10240x128xf32, #tpu.memory_space<vmem_shared>> -> memref<80x128xf32, #tpu.memory_space<vmem_shared>>
      %dma_wait3A_106 = arith.constant 0 : i32
      %dma_wait3A_107 = tpu.memref_slice %arg8[%add3A_25, %dma_wait3A_106] : memref<10240x128xf32, #tpu.memory_space<vmem_shared>> -> memref<80x128xf32, #tpu.memory_space<vmem_shared>>
      tpu.wait_dma2 semaphore(%run_scoped3A : memref<!tpu.dma_semaphore, #tpu.memory_space<semaphore_mem>>) src(%arg7 : memref<80x128xf32, #tpu.memory_space<vmem>>) dst(%dma_wait3A_107 : memref<80x128xf32, #tpu.memory_space<vmem_shared>>)
      tpu.yield
    }) : () -> ()
    %mul3A_26 = arith.constant 640 : i32
    %mul3A_27 = arith.muli %arg1, %mul3A_26 : i32
    %add3A_28 = arith.constant 560 : i32
    %add3A_29 = arith.addi %mul3A_27, %add3A_28 : i32
    "tpu.region"() ({
      %run_scoped3A = tpu.sem_alloc : memref<!tpu.dma_semaphore, #tpu.memory_space<semaphore_mem>>
      %dma_start3A = arith.constant 0 : i32
      %dma_start3A_102 = tpu.memref_slice %arg8[%add3A_29, %dma_start3A] : memref<10240x128xf32, #tpu.memory_space<vmem_shared>> -> memref<80x128xf32, #tpu.memory_space<vmem_shared>>
      %dma_start3A_103 = arith.constant 0 : i32
      %dma_start3A_104 = tpu.memref_slice %arg8[%add3A_29, %dma_start3A_103] : memref<10240x128xf32, #tpu.memory_space<vmem_shared>> -> memref<80x128xf32, #tpu.memory_space<vmem_shared>>
      tpu.enqueue_dma source(%arg7 : memref<80x128xf32, #tpu.memory_space<vmem>>) target(%dma_start3A_104 : memref<80x128xf32, #tpu.memory_space<vmem_shared>>) target_semaphore(%run_scoped3A : memref<!tpu.dma_semaphore, #tpu.memory_space<semaphore_mem>>)
      %dma_wait3A = arith.constant 0 : i32
      %dma_wait3A_105 = tpu.memref_slice %arg8[%add3A_29, %dma_wait3A] : memref<10240x128xf32, #tpu.memory_space<vmem_shared>> -> memref<80x128xf32, #tpu.memory_space<vmem_shared>>
      %dma_wait3A_106 = arith.constant 0 : i32
      %dma_wait3A_107 = tpu.memref_slice %arg8[%add3A_29, %dma_wait3A_106] : memref<10240x128xf32, #tpu.memory_space<vmem_shared>> -> memref<80x128xf32, #tpu.memory_space<vmem_shared>>
      tpu.wait_dma2 semaphore(%run_scoped3A : memref<!tpu.dma_semaphore, #tpu.memory_space<semaphore_mem>>) src(%arg7 : memref<80x128xf32, #tpu.memory_space<vmem>>) dst(%dma_wait3A_107 : memref<80x128xf32, #tpu.memory_space<vmem_shared>>)
      tpu.yield
    }) : () -> ()
    %barrier3A = arith.constant 0 : index
    tpu.barrier barrier_id(%barrier3A)
    %mul3A_30 = arith.constant 20000 : i32
    %mul3A_31 = arith.muli %arg1, %mul3A_30 : i32
    %scan3A = arith.constant 0 : i32
    %scan3A_32 = arith.constant 0 : i32
    %scan3A_33 = arith.constant 250 : i32
    %scan3A_34 = arith.addi %scan3A_32, %scan3A_33 : i32
    %scan3A_35 = arith.constant 1 : i32
    scf.for %scan3A_102 = %scan3A_32 to %scan3A_34 step %scan3A_35  : i32 {
      %mul3A_103 = arith.constant 80 : i32
      %mul3A_104 = arith.muli %scan3A_102, %mul3A_103 : i32
      %add3A_105 = arith.addi %mul3A_31, %mul3A_104 : i32
      "tpu.region"() ({
        %run_scoped3A = tpu.sem_alloc : memref<!tpu.dma_semaphore, #tpu.memory_space<semaphore_mem>>
        %dma_start3A = tpu.memref_slice %arg3[%add3A_105] : memref<320000xi32, #tpu.memory_space<hbm>> -> memref<80xi32, #tpu.memory_space<hbm>>
        %dma_start3A_106 = tpu.memref_slice %arg3[%add3A_105] : memref<320000xi32, #tpu.memory_space<hbm>> -> memref<80xi32, #tpu.memory_space<hbm>>
        tpu.enqueue_dma source(%dma_start3A_106 : memref<80xi32, #tpu.memory_space<hbm>>) target(%arg6 : memref<80xi32, #tpu.memory_space<vmem>>) target_semaphore(%run_scoped3A : memref<!tpu.dma_semaphore, #tpu.memory_space<semaphore_mem>>)
        %dma_wait3A = tpu.memref_slice %arg3[%add3A_105] : memref<320000xi32, #tpu.memory_space<hbm>> -> memref<80xi32, #tpu.memory_space<hbm>>
        %dma_wait3A_107 = tpu.memref_slice %arg3[%add3A_105] : memref<320000xi32, #tpu.memory_space<hbm>> -> memref<80xi32, #tpu.memory_space<hbm>>
        tpu.wait_dma2 semaphore(%run_scoped3A : memref<!tpu.dma_semaphore, #tpu.memory_space<semaphore_mem>>) src(%dma_wait3A_107 : memref<80xi32, #tpu.memory_space<hbm>>) dst(%arg6 : memref<80xi32, #tpu.memory_space<vmem>>)
        tpu.yield
      }) : () -> ()
      "tpu.region"() ({
        %run_scoped3A = tpu.sem_alloc : memref<!tpu.dma_semaphore, #tpu.memory_space<semaphore_mem>>
        %dma_start3A = arith.constant 0 : i32
        %dma_start3A_106 = tpu.memref_slice %arg2[%arg0, %add3A_105, %dma_start3A] : memref<2x320000x128xf32, #tpu.memory_space<hbm>> -> memref<1x80x128xf32, #tpu.memory_space<hbm>>
        %dma_start3A_107 = tpu.memref_squeeze %dma_start3A_106 : memref<1x80x128xf32, #tpu.memory_space<hbm>> -> memref<80x128xf32, #tpu.memory_space<hbm>>
        %dma_start3A_108 = arith.constant 0 : i32
        %dma_start3A_109 = tpu.memref_slice %arg2[%arg0, %add3A_105, %dma_start3A_108] : memref<2x320000x128xf32, #tpu.memory_space<hbm>> -> memref<1x80x128xf32, #tpu.memory_space<hbm>>
        %dma_start3A_110 = tpu.memref_squeeze %dma_start3A_109 : memref<1x80x128xf32, #tpu.memory_space<hbm>> -> memref<80x128xf32, #tpu.memory_space<hbm>>
        tpu.enqueue_dma source(%dma_start3A_110 : memref<80x128xf32, #tpu.memory_space<hbm>>) target(%arg7 : memref<80x128xf32, #tpu.memory_space<vmem>>) target_semaphore(%run_scoped3A : memref<!tpu.dma_semaphore, #tpu.memory_space<semaphore_mem>>)
        %dma_wait3A = arith.constant 0 : i32
        %dma_wait3A_111 = tpu.memref_slice %arg2[%arg0, %add3A_105, %dma_wait3A] : memref<2x320000x128xf32, #tpu.memory_space<hbm>> -> memref<1x80x128xf32, #tpu.memory_space<hbm>>
        %dma_wait3A_112 = tpu.memref_squeeze %dma_wait3A_111 : memref<1x80x128xf32, #tpu.memory_space<hbm>> -> memref<80x128xf32, #tpu.memory_space<hbm>>
        %dma_wait3A_113 = arith.constant 0 : i32
        %dma_wait3A_114 = tpu.memref_slice %arg2[%arg0, %add3A_105, %dma_wait3A_113] : memref<2x320000x128xf32, #tpu.memory_space<hbm>> -> memref<1x80x128xf32, #tpu.memory_space<hbm>>
        %dma_wait3A_115 = tpu.memref_squeeze %dma_wait3A_114 : memref<1x80x128xf32, #tpu.memory_space<hbm>> -> memref<80x128xf32, #tpu.memory_space<hbm>>
        tpu.wait_dma2 semaphore(%run_scoped3A : memref<!tpu.dma_semaphore, #tpu.memory_space<semaphore_mem>>) src(%dma_wait3A_115 : memref<80x128xf32, #tpu.memory_space<hbm>>) dst(%arg7 : memref<80x128xf32, #tpu.memory_space<vmem>>)
        tpu.yield
      }) : () -> ()
      "tpu.region"() ({
        %run_scoped3A = tpu.sem_alloc : memref<!tpu.dma_semaphore, #tpu.memory_space<semaphore_mem>>
        %dma_start3A = arith.constant 0 : i32
        %dma_start3A_106 = arith.constant 0 : i32
        %dma_start3A_107 = tpu.memref_slice %arg8[%dma_start3A, %dma_start3A_106] : memref<10240x128xf32, #tpu.memory_space<vmem_shared>> -> memref<10240x128xf32, #tpu.memory_space<vmem_shared>>
        tpu.enqueue_indirect_dma source(%arg7 : memref<80x128xf32, #tpu.memory_space<vmem>>) target(%dma_start3A_107 : memref<10240x128xf32, #tpu.memory_space<vmem_shared>>) offsets(%arg6 : memref<80xi32, #tpu.memory_space<vmem>>) semaphore(%run_scoped3A : memref<!tpu.dma_semaphore, #tpu.memory_space<semaphore_mem>>) {add = true}
        %dma_wait3A = arith.constant 0 : i32
        %dma_wait3A_108 = arith.constant 0 : i32
        %dma_wait3A_109 = tpu.memref_slice %arg8[%dma_wait3A, %dma_wait3A_108] : memref<10240x128xf32, #tpu.memory_space<vmem_shared>> -> memref<10240x128xf32, #tpu.memory_space<vmem_shared>>
        tpu.wait_indirect_dma semaphore(%run_scoped3A : memref<!tpu.dma_semaphore, #tpu.memory_space<semaphore_mem>>) src(%arg7 : memref<80x128xf32, #tpu.memory_space<vmem>>) dst(%dma_wait3A_109 : memref<10240x128xf32, #tpu.memory_space<vmem_shared>>)
        tpu.yield
      }) : () -> ()
    }
    %scan3A_36 = arith.constant 250 : i32
    %barrier3A_37 = arith.constant 0 : index
    tpu.barrier barrier_id(%barrier3A_37)
    %mul3A_38 = arith.constant 640 : i32
    %mul3A_39 = arith.muli %arg1, %mul3A_38 : i32
    %add3A_40 = arith.constant 0 : i32
    %add3A_41 = arith.addi %mul3A_39, %add3A_40 : i32
    "tpu.region"() ({
      %run_scoped3A = tpu.sem_alloc : memref<!tpu.dma_semaphore, #tpu.memory_space<semaphore_mem>>
      %dma_start3A = arith.constant 0 : i32
      %dma_start3A_102 = tpu.memref_slice %arg8[%add3A_41, %dma_start3A] : memref<10240x128xf32, #tpu.memory_space<vmem_shared>> -> memref<80x128xf32, #tpu.memory_space<vmem_shared>>
      %dma_start3A_103 = arith.constant 0 : i32
      %dma_start3A_104 = tpu.memref_slice %arg8[%add3A_41, %dma_start3A_103] : memref<10240x128xf32, #tpu.memory_space<vmem_shared>> -> memref<80x128xf32, #tpu.memory_space<vmem_shared>>
      tpu.enqueue_dma source(%dma_start3A_104 : memref<80x128xf32, #tpu.memory_space<vmem_shared>>) target(%arg7 : memref<80x128xf32, #tpu.memory_space<vmem>>) target_semaphore(%run_scoped3A : memref<!tpu.dma_semaphore, #tpu.memory_space<semaphore_mem>>)
      %dma_wait3A = arith.constant 0 : i32
      %dma_wait3A_105 = tpu.memref_slice %arg8[%add3A_41, %dma_wait3A] : memref<10240x128xf32, #tpu.memory_space<vmem_shared>> -> memref<80x128xf32, #tpu.memory_space<vmem_shared>>
      %dma_wait3A_106 = arith.constant 0 : i32
      %dma_wait3A_107 = tpu.memref_slice %arg8[%add3A_41, %dma_wait3A_106] : memref<10240x128xf32, #tpu.memory_space<vmem_shared>> -> memref<80x128xf32, #tpu.memory_space<vmem_shared>>
      tpu.wait_dma2 semaphore(%run_scoped3A : memref<!tpu.dma_semaphore, #tpu.memory_space<semaphore_mem>>) src(%dma_wait3A_107 : memref<80x128xf32, #tpu.memory_space<vmem_shared>>) dst(%arg7 : memref<80x128xf32, #tpu.memory_space<vmem>>)
      tpu.yield
    }) : () -> ()
    %mul3A_42 = arith.constant 640 : i32
    %mul3A_43 = arith.muli %arg1, %mul3A_42 : i32
    %add3A_44 = arith.constant 0 : i32
    %add3A_45 = arith.addi %mul3A_43, %add3A_44 : i32
    "tpu.region"() ({
      %run_scoped3A = tpu.sem_alloc : memref<!tpu.dma_semaphore, #tpu.memory_space<semaphore_mem>>
      %dma_start3A = arith.constant 0 : i32
      %dma_start3A_102 = tpu.memref_slice %arg5[%arg0, %add3A_45, %dma_start3A] : memref<2x10240x128xf32, #tpu.memory_space<hbm>> -> memref<1x80x128xf32, #tpu.memory_space<hbm>>
      %dma_start3A_103 = tpu.memref_squeeze %dma_start3A_102 : memref<1x80x128xf32, #tpu.memory_space<hbm>> -> memref<80x128xf32, #tpu.memory_space<hbm>>
      %dma_start3A_104 = arith.constant 0 : i32
      %dma_start3A_105 = tpu.memref_slice %arg5[%arg0, %add3A_45, %dma_start3A_104] : memref<2x10240x128xf32, #tpu.memory_space<hbm>> -> memref<1x80x128xf32, #tpu.memory_space<hbm>>
      %dma_start3A_106 = tpu.memref_squeeze %dma_start3A_105 : memref<1x80x128xf32, #tpu.memory_space<hbm>> -> memref<80x128xf32, #tpu.memory_space<hbm>>
      tpu.enqueue_dma source(%arg7 : memref<80x128xf32, #tpu.memory_space<vmem>>) target(%dma_start3A_106 : memref<80x128xf32, #tpu.memory_space<hbm>>) target_semaphore(%run_scoped3A : memref<!tpu.dma_semaphore, #tpu.memory_space<semaphore_mem>>)
      %dma_wait3A = arith.constant 0 : i32
      %dma_wait3A_107 = tpu.memref_slice %arg5[%arg0, %add3A_45, %dma_wait3A] : memref<2x10240x128xf32, #tpu.memory_space<hbm>> -> memref<1x80x128xf32, #tpu.memory_space<hbm>>
      %dma_wait3A_108 = tpu.memref_squeeze %dma_wait3A_107 : memref<1x80x128xf32, #tpu.memory_space<hbm>> -> memref<80x128xf32, #tpu.memory_space<hbm>>
      %dma_wait3A_109 = arith.constant 0 : i32
      %dma_wait3A_110 = tpu.memref_slice %arg5[%arg0, %add3A_45, %dma_wait3A_109] : memref<2x10240x128xf32, #tpu.memory_space<hbm>> -> memref<1x80x128xf32, #tpu.memory_space<hbm>>
      %dma_wait3A_111 = tpu.memref_squeeze %dma_wait3A_110 : memref<1x80x128xf32, #tpu.memory_space<hbm>> -> memref<80x128xf32, #tpu.memory_space<hbm>>
      tpu.wait_dma2 semaphore(%run_scoped3A : memref<!tpu.dma_semaphore, #tpu.memory_space<semaphore_mem>>) src(%arg7 : memref<80x128xf32, #tpu.memory_space<vmem>>) dst(%dma_wait3A_111 : memref<80x128xf32, #tpu.memory_space<hbm>>)
      tpu.yield
    }) : () -> ()
    %mul3A_46 = arith.constant 640 : i32
    %mul3A_47 = arith.muli %arg1, %mul3A_46 : i32
    %add3A_48 = arith.constant 80 : i32
    %add3A_49 = arith.addi %mul3A_47, %add3A_48 : i32
    "tpu.region"() ({
      %run_scoped3A = tpu.sem_alloc : memref<!tpu.dma_semaphore, #tpu.memory_space<semaphore_mem>>
      %dma_start3A = arith.constant 0 : i32
      %dma_start3A_102 = tpu.memref_slice %arg8[%add3A_49, %dma_start3A] : memref<10240x128xf32, #tpu.memory_space<vmem_shared>> -> memref<80x128xf32, #tpu.memory_space<vmem_shared>>
      %dma_start3A_103 = arith.constant 0 : i32
      %dma_start3A_104 = tpu.memref_slice %arg8[%add3A_49, %dma_start3A_103] : memref<10240x128xf32, #tpu.memory_space<vmem_shared>> -> memref<80x128xf32, #tpu.memory_space<vmem_shared>>
      tpu.enqueue_dma source(%dma_start3A_104 : memref<80x128xf32, #tpu.memory_space<vmem_shared>>) target(%arg7 : memref<80x128xf32, #tpu.memory_space<vmem>>) target_semaphore(%run_scoped3A : memref<!tpu.dma_semaphore, #tpu.memory_space<semaphore_mem>>)
      %dma_wait3A = arith.constant 0 : i32
      %dma_wait3A_105 = tpu.memref_slice %arg8[%add3A_49, %dma_wait3A] : memref<10240x128xf32, #tpu.memory_space<vmem_shared>> -> memref<80x128xf32, #tpu.memory_space<vmem_shared>>
      %dma_wait3A_106 = arith.constant 0 : i32
      %dma_wait3A_107 = tpu.memref_slice %arg8[%add3A_49, %dma_wait3A_106] : memref<10240x128xf32, #tpu.memory_space<vmem_shared>> -> memref<80x128xf32, #tpu.memory_space<vmem_shared>>
      tpu.wait_dma2 semaphore(%run_scoped3A : memref<!tpu.dma_semaphore, #tpu.memory_space<semaphore_mem>>) src(%dma_wait3A_107 : memref<80x128xf32, #tpu.memory_space<vmem_shared>>) dst(%arg7 : memref<80x128xf32, #tpu.memory_space<vmem>>)
      tpu.yield
    }) : () -> ()
    %mul3A_50 = arith.constant 640 : i32
    %mul3A_51 = arith.muli %arg1, %mul3A_50 : i32
    %add3A_52 = arith.constant 80 : i32
    %add3A_53 = arith.addi %mul3A_51, %add3A_52 : i32
    "tpu.region"() ({
      %run_scoped3A = tpu.sem_alloc : memref<!tpu.dma_semaphore, #tpu.memory_space<semaphore_mem>>
      %dma_start3A = arith.constant 0 : i32
      %dma_start3A_102 = tpu.memref_slice %arg5[%arg0, %add3A_53, %dma_start3A] : memref<2x10240x128xf32, #tpu.memory_space<hbm>> -> memref<1x80x128xf32, #tpu.memory_space<hbm>>
      %dma_start3A_103 = tpu.memref_squeeze %dma_start3A_102 : memref<1x80x128xf32, #tpu.memory_space<hbm>> -> memref<80x128xf32, #tpu.memory_space<hbm>>
      %dma_start3A_104 = arith.constant 0 : i32
      %dma_start3A_105 = tpu.memref_slice %arg5[%arg0, %add3A_53, %dma_start3A_104] : memref<2x10240x128xf32, #tpu.memory_space<hbm>> -> memref<1x80x128xf32, #tpu.memory_space<hbm>>
      %dma_start3A_106 = tpu.memref_squeeze %dma_start3A_105 : memref<1x80x128xf32, #tpu.memory_space<hbm>> -> memref<80x128xf32, #tpu.memory_space<hbm>>
      tpu.enqueue_dma source(%arg7 : memref<80x128xf32, #tpu.memory_space<vmem>>) target(%dma_start3A_106 : memref<80x128xf32, #tpu.memory_space<hbm>>) target_semaphore(%run_scoped3A : memref<!tpu.dma_semaphore, #tpu.memory_space<semaphore_mem>>)
      %dma_wait3A = arith.constant 0 : i32
      %dma_wait3A_107 = tpu.memref_slice %arg5[%arg0, %add3A_53, %dma_wait3A] : memref<2x10240x128xf32, #tpu.memory_space<hbm>> -> memref<1x80x128xf32, #tpu.memory_space<hbm>>
      %dma_wait3A_108 = tpu.memref_squeeze %dma_wait3A_107 : memref<1x80x128xf32, #tpu.memory_space<hbm>> -> memref<80x128xf32, #tpu.memory_space<hbm>>
      %dma_wait3A_109 = arith.constant 0 : i32
      %dma_wait3A_110 = tpu.memref_slice %arg5[%arg0, %add3A_53, %dma_wait3A_109] : memref<2x10240x128xf32, #tpu.memory_space<hbm>> -> memref<1x80x128xf32, #tpu.memory_space<hbm>>
      %dma_wait3A_111 = tpu.memref_squeeze %dma_wait3A_110 : memref<1x80x128xf32, #tpu.memory_space<hbm>> -> memref<80x128xf32, #tpu.memory_space<hbm>>
      tpu.wait_dma2 semaphore(%run_scoped3A : memref<!tpu.dma_semaphore, #tpu.memory_space<semaphore_mem>>) src(%arg7 : memref<80x128xf32, #tpu.memory_space<vmem>>) dst(%dma_wait3A_111 : memref<80x128xf32, #tpu.memory_space<hbm>>)
      tpu.yield
    }) : () -> ()
    %mul3A_54 = arith.constant 640 : i32
    %mul3A_55 = arith.muli %arg1, %mul3A_54 : i32
    %add3A_56 = arith.constant 160 : i32
    %add3A_57 = arith.addi %mul3A_55, %add3A_56 : i32
    "tpu.region"() ({
      %run_scoped3A = tpu.sem_alloc : memref<!tpu.dma_semaphore, #tpu.memory_space<semaphore_mem>>
      %dma_start3A = arith.constant 0 : i32
      %dma_start3A_102 = tpu.memref_slice %arg8[%add3A_57, %dma_start3A] : memref<10240x128xf32, #tpu.memory_space<vmem_shared>> -> memref<80x128xf32, #tpu.memory_space<vmem_shared>>
      %dma_start3A_103 = arith.constant 0 : i32
      %dma_start3A_104 = tpu.memref_slice %arg8[%add3A_57, %dma_start3A_103] : memref<10240x128xf32, #tpu.memory_space<vmem_shared>> -> memref<80x128xf32, #tpu.memory_space<vmem_shared>>
      tpu.enqueue_dma source(%dma_start3A_104 : memref<80x128xf32, #tpu.memory_space<vmem_shared>>) target(%arg7 : memref<80x128xf32, #tpu.memory_space<vmem>>) target_semaphore(%run_scoped3A : memref<!tpu.dma_semaphore, #tpu.memory_space<semaphore_mem>>)
      %dma_wait3A = arith.constant 0 : i32
      %dma_wait3A_105 = tpu.memref_slice %arg8[%add3A_57, %dma_wait3A] : memref<10240x128xf32, #tpu.memory_space<vmem_shared>> -> memref<80x128xf32, #tpu.memory_space<vmem_shared>>
      %dma_wait3A_106 = arith.constant 0 : i32
      %dma_wait3A_107 = tpu.memref_slice %arg8[%add3A_57, %dma_wait3A_106] : memref<10240x128xf32, #tpu.memory_space<vmem_shared>> -> memref<80x128xf32, #tpu.memory_space<vmem_shared>>
      tpu.wait_dma2 semaphore(%run_scoped3A : memref<!tpu.dma_semaphore, #tpu.memory_space<semaphore_mem>>) src(%dma_wait3A_107 : memref<80x128xf32, #tpu.memory_space<vmem_shared>>) dst(%arg7 : memref<80x128xf32, #tpu.memory_space<vmem>>)
      tpu.yield
    }) : () -> ()
    %mul3A_58 = arith.constant 640 : i32
    %mul3A_59 = arith.muli %arg1, %mul3A_58 : i32
    %add3A_60 = arith.constant 160 : i32
    %add3A_61 = arith.addi %mul3A_59, %add3A_60 : i32
    "tpu.region"() ({
      %run_scoped3A = tpu.sem_alloc : memref<!tpu.dma_semaphore, #tpu.memory_space<semaphore_mem>>
      %dma_start3A = arith.constant 0 : i32
      %dma_start3A_102 = tpu.memref_slice %arg5[%arg0, %add3A_61, %dma_start3A] : memref<2x10240x128xf32, #tpu.memory_space<hbm>> -> memref<1x80x128xf32, #tpu.memory_space<hbm>>
      %dma_start3A_103 = tpu.memref_squeeze %dma_start3A_102 : memref<1x80x128xf32, #tpu.memory_space<hbm>> -> memref<80x128xf32, #tpu.memory_space<hbm>>
      %dma_start3A_104 = arith.constant 0 : i32
      %dma_start3A_105 = tpu.memref_slice %arg5[%arg0, %add3A_61, %dma_start3A_104] : memref<2x10240x128xf32, #tpu.memory_space<hbm>> -> memref<1x80x128xf32, #tpu.memory_space<hbm>>
      %dma_start3A_106 = tpu.memref_squeeze %dma_start3A_105 : memref<1x80x128xf32, #tpu.memory_space<hbm>> -> memref<80x128xf32, #tpu.memory_space<hbm>>
      tpu.enqueue_dma source(%arg7 : memref<80x128xf32, #tpu.memory_space<vmem>>) target(%dma_start3A_106 : memref<80x128xf32, #tpu.memory_space<hbm>>) target_semaphore(%run_scoped3A : memref<!tpu.dma_semaphore, #tpu.memory_space<semaphore_mem>>)
      %dma_wait3A = arith.constant 0 : i32
      %dma_wait3A_107 = tpu.memref_slice %arg5[%arg0, %add3A_61, %dma_wait3A] : memref<2x10240x128xf32, #tpu.memory_space<hbm>> -> memref<1x80x128xf32, #tpu.memory_space<hbm>>
      %dma_wait3A_108 = tpu.memref_squeeze %dma_wait3A_107 : memref<1x80x128xf32, #tpu.memory_space<hbm>> -> memref<80x128xf32, #tpu.memory_space<hbm>>
      %dma_wait3A_109 = arith.constant 0 : i32
      %dma_wait3A_110 = tpu.memref_slice %arg5[%arg0, %add3A_61, %dma_wait3A_109] : memref<2x10240x128xf32, #tpu.memory_space<hbm>> -> memref<1x80x128xf32, #tpu.memory_space<hbm>>
      %dma_wait3A_111 = tpu.memref_squeeze %dma_wait3A_110 : memref<1x80x128xf32, #tpu.memory_space<hbm>> -> memref<80x128xf32, #tpu.memory_space<hbm>>
      tpu.wait_dma2 semaphore(%run_scoped3A : memref<!tpu.dma_semaphore, #tpu.memory_space<semaphore_mem>>) src(%arg7 : memref<80x128xf32, #tpu.memory_space<vmem>>) dst(%dma_wait3A_111 : memref<80x128xf32, #tpu.memory_space<hbm>>)
      tpu.yield
    }) : () -> ()
    %mul3A_62 = arith.constant 640 : i32
    %mul3A_63 = arith.muli %arg1, %mul3A_62 : i32
    %add3A_64 = arith.constant 240 : i32
    %add3A_65 = arith.addi %mul3A_63, %add3A_64 : i32
    "tpu.region"() ({
      %run_scoped3A = tpu.sem_alloc : memref<!tpu.dma_semaphore, #tpu.memory_space<semaphore_mem>>
      %dma_start3A = arith.constant 0 : i32
      %dma_start3A_102 = tpu.memref_slice %arg8[%add3A_65, %dma_start3A] : memref<10240x128xf32, #tpu.memory_space<vmem_shared>> -> memref<80x128xf32, #tpu.memory_space<vmem_shared>>
      %dma_start3A_103 = arith.constant 0 : i32
      %dma_start3A_104 = tpu.memref_slice %arg8[%add3A_65, %dma_start3A_103] : memref<10240x128xf32, #tpu.memory_space<vmem_shared>> -> memref<80x128xf32, #tpu.memory_space<vmem_shared>>
      tpu.enqueue_dma source(%dma_start3A_104 : memref<80x128xf32, #tpu.memory_space<vmem_shared>>) target(%arg7 : memref<80x128xf32, #tpu.memory_space<vmem>>) target_semaphore(%run_scoped3A : memref<!tpu.dma_semaphore, #tpu.memory_space<semaphore_mem>>)
      %dma_wait3A = arith.constant 0 : i32
      %dma_wait3A_105 = tpu.memref_slice %arg8[%add3A_65, %dma_wait3A] : memref<10240x128xf32, #tpu.memory_space<vmem_shared>> -> memref<80x128xf32, #tpu.memory_space<vmem_shared>>
      %dma_wait3A_106 = arith.constant 0 : i32
      %dma_wait3A_107 = tpu.memref_slice %arg8[%add3A_65, %dma_wait3A_106] : memref<10240x128xf32, #tpu.memory_space<vmem_shared>> -> memref<80x128xf32, #tpu.memory_space<vmem_shared>>
      tpu.wait_dma2 semaphore(%run_scoped3A : memref<!tpu.dma_semaphore, #tpu.memory_space<semaphore_mem>>) src(%dma_wait3A_107 : memref<80x128xf32, #tpu.memory_space<vmem_shared>>) dst(%arg7 : memref<80x128xf32, #tpu.memory_space<vmem>>)
      tpu.yield
    }) : () -> ()
    %mul3A_66 = arith.constant 640 : i32
    %mul3A_67 = arith.muli %arg1, %mul3A_66 : i32
    %add3A_68 = arith.constant 240 : i32
    %add3A_69 = arith.addi %mul3A_67, %add3A_68 : i32
    "tpu.region"() ({
      %run_scoped3A = tpu.sem_alloc : memref<!tpu.dma_semaphore, #tpu.memory_space<semaphore_mem>>
      %dma_start3A = arith.constant 0 : i32
      %dma_start3A_102 = tpu.memref_slice %arg5[%arg0, %add3A_69, %dma_start3A] : memref<2x10240x128xf32, #tpu.memory_space<hbm>> -> memref<1x80x128xf32, #tpu.memory_space<hbm>>
      %dma_start3A_103 = tpu.memref_squeeze %dma_start3A_102 : memref<1x80x128xf32, #tpu.memory_space<hbm>> -> memref<80x128xf32, #tpu.memory_space<hbm>>
      %dma_start3A_104 = arith.constant 0 : i32
      %dma_start3A_105 = tpu.memref_slice %arg5[%arg0, %add3A_69, %dma_start3A_104] : memref<2x10240x128xf32, #tpu.memory_space<hbm>> -> memref<1x80x128xf32, #tpu.memory_space<hbm>>
      %dma_start3A_106 = tpu.memref_squeeze %dma_start3A_105 : memref<1x80x128xf32, #tpu.memory_space<hbm>> -> memref<80x128xf32, #tpu.memory_space<hbm>>
      tpu.enqueue_dma source(%arg7 : memref<80x128xf32, #tpu.memory_space<vmem>>) target(%dma_start3A_106 : memref<80x128xf32, #tpu.memory_space<hbm>>) target_semaphore(%run_scoped3A : memref<!tpu.dma_semaphore, #tpu.memory_space<semaphore_mem>>)
      %dma_wait3A = arith.constant 0 : i32
      %dma_wait3A_107 = tpu.memref_slice %arg5[%arg0, %add3A_69, %dma_wait3A] : memref<2x10240x128xf32, #tpu.memory_space<hbm>> -> memref<1x80x128xf32, #tpu.memory_space<hbm>>
      %dma_wait3A_108 = tpu.memref_squeeze %dma_wait3A_107 : memref<1x80x128xf32, #tpu.memory_space<hbm>> -> memref<80x128xf32, #tpu.memory_space<hbm>>
      %dma_wait3A_109 = arith.constant 0 : i32
      %dma_wait3A_110 = tpu.memref_slice %arg5[%arg0, %add3A_69, %dma_wait3A_109] : memref<2x10240x128xf32, #tpu.memory_space<hbm>> -> memref<1x80x128xf32, #tpu.memory_space<hbm>>
      %dma_wait3A_111 = tpu.memref_squeeze %dma_wait3A_110 : memref<1x80x128xf32, #tpu.memory_space<hbm>> -> memref<80x128xf32, #tpu.memory_space<hbm>>
      tpu.wait_dma2 semaphore(%run_scoped3A : memref<!tpu.dma_semaphore, #tpu.memory_space<semaphore_mem>>) src(%arg7 : memref<80x128xf32, #tpu.memory_space<vmem>>) dst(%dma_wait3A_111 : memref<80x128xf32, #tpu.memory_space<hbm>>)
      tpu.yield
    }) : () -> ()
    %mul3A_70 = arith.constant 640 : i32
    %mul3A_71 = arith.muli %arg1, %mul3A_70 : i32
    %add3A_72 = arith.constant 320 : i32
    %add3A_73 = arith.addi %mul3A_71, %add3A_72 : i32
    "tpu.region"() ({
      %run_scoped3A = tpu.sem_alloc : memref<!tpu.dma_semaphore, #tpu.memory_space<semaphore_mem>>
      %dma_start3A = arith.constant 0 : i32
      %dma_start3A_102 = tpu.memref_slice %arg8[%add3A_73, %dma_start3A] : memref<10240x128xf32, #tpu.memory_space<vmem_shared>> -> memref<80x128xf32, #tpu.memory_space<vmem_shared>>
      %dma_start3A_103 = arith.constant 0 : i32
      %dma_start3A_104 = tpu.memref_slice %arg8[%add3A_73, %dma_start3A_103] : memref<10240x128xf32, #tpu.memory_space<vmem_shared>> -> memref<80x128xf32, #tpu.memory_space<vmem_shared>>
      tpu.enqueue_dma source(%dma_start3A_104 : memref<80x128xf32, #tpu.memory_space<vmem_shared>>) target(%arg7 : memref<80x128xf32, #tpu.memory_space<vmem>>) target_semaphore(%run_scoped3A : memref<!tpu.dma_semaphore, #tpu.memory_space<semaphore_mem>>)
      %dma_wait3A = arith.constant 0 : i32
      %dma_wait3A_105 = tpu.memref_slice %arg8[%add3A_73, %dma_wait3A] : memref<10240x128xf32, #tpu.memory_space<vmem_shared>> -> memref<80x128xf32, #tpu.memory_space<vmem_shared>>
      %dma_wait3A_106 = arith.constant 0 : i32
      %dma_wait3A_107 = tpu.memref_slice %arg8[%add3A_73, %dma_wait3A_106] : memref<10240x128xf32, #tpu.memory_space<vmem_shared>> -> memref<80x128xf32, #tpu.memory_space<vmem_shared>>
      tpu.wait_dma2 semaphore(%run_scoped3A : memref<!tpu.dma_semaphore, #tpu.memory_space<semaphore_mem>>) src(%dma_wait3A_107 : memref<80x128xf32, #tpu.memory_space<vmem_shared>>) dst(%arg7 : memref<80x128xf32, #tpu.memory_space<vmem>>)
      tpu.yield
    }) : () -> ()
    %mul3A_74 = arith.constant 640 : i32
    %mul3A_75 = arith.muli %arg1, %mul3A_74 : i32
    %add3A_76 = arith.constant 320 : i32
    %add3A_77 = arith.addi %mul3A_75, %add3A_76 : i32
    "tpu.region"() ({
      %run_scoped3A = tpu.sem_alloc : memref<!tpu.dma_semaphore, #tpu.memory_space<semaphore_mem>>
      %dma_start3A = arith.constant 0 : i32
      %dma_start3A_102 = tpu.memref_slice %arg5[%arg0, %add3A_77, %dma_start3A] : memref<2x10240x128xf32, #tpu.memory_space<hbm>> -> memref<1x80x128xf32, #tpu.memory_space<hbm>>
      %dma_start3A_103 = tpu.memref_squeeze %dma_start3A_102 : memref<1x80x128xf32, #tpu.memory_space<hbm>> -> memref<80x128xf32, #tpu.memory_space<hbm>>
      %dma_start3A_104 = arith.constant 0 : i32
      %dma_start3A_105 = tpu.memref_slice %arg5[%arg0, %add3A_77, %dma_start3A_104] : memref<2x10240x128xf32, #tpu.memory_space<hbm>> -> memref<1x80x128xf32, #tpu.memory_space<hbm>>
      %dma_start3A_106 = tpu.memref_squeeze %dma_start3A_105 : memref<1x80x128xf32, #tpu.memory_space<hbm>> -> memref<80x128xf32, #tpu.memory_space<hbm>>
      tpu.enqueue_dma source(%arg7 : memref<80x128xf32, #tpu.memory_space<vmem>>) target(%dma_start3A_106 : memref<80x128xf32, #tpu.memory_space<hbm>>) target_semaphore(%run_scoped3A : memref<!tpu.dma_semaphore, #tpu.memory_space<semaphore_mem>>)
      %dma_wait3A = arith.constant 0 : i32
      %dma_wait3A_107 = tpu.memref_slice %arg5[%arg0, %add3A_77, %dma_wait3A] : memref<2x10240x128xf32, #tpu.memory_space<hbm>> -> memref<1x80x128xf32, #tpu.memory_space<hbm>>
      %dma_wait3A_108 = tpu.memref_squeeze %dma_wait3A_107 : memref<1x80x128xf32, #tpu.memory_space<hbm>> -> memref<80x128xf32, #tpu.memory_space<hbm>>
      %dma_wait3A_109 = arith.constant 0 : i32
      %dma_wait3A_110 = tpu.memref_slice %arg5[%arg0, %add3A_77, %dma_wait3A_109] : memref<2x10240x128xf32, #tpu.memory_space<hbm>> -> memref<1x80x128xf32, #tpu.memory_space<hbm>>
      %dma_wait3A_111 = tpu.memref_squeeze %dma_wait3A_110 : memref<1x80x128xf32, #tpu.memory_space<hbm>> -> memref<80x128xf32, #tpu.memory_space<hbm>>
      tpu.wait_dma2 semaphore(%run_scoped3A : memref<!tpu.dma_semaphore, #tpu.memory_space<semaphore_mem>>) src(%arg7 : memref<80x128xf32, #tpu.memory_space<vmem>>) dst(%dma_wait3A_111 : memref<80x128xf32, #tpu.memory_space<hbm>>)
      tpu.yield
    }) : () -> ()
    %mul3A_78 = arith.constant 640 : i32
    %mul3A_79 = arith.muli %arg1, %mul3A_78 : i32
    %add3A_80 = arith.constant 400 : i32
    %add3A_81 = arith.addi %mul3A_79, %add3A_80 : i32
    "tpu.region"() ({
      %run_scoped3A = tpu.sem_alloc : memref<!tpu.dma_semaphore, #tpu.memory_space<semaphore_mem>>
      %dma_start3A = arith.constant 0 : i32
      %dma_start3A_102 = tpu.memref_slice %arg8[%add3A_81, %dma_start3A] : memref<10240x128xf32, #tpu.memory_space<vmem_shared>> -> memref<80x128xf32, #tpu.memory_space<vmem_shared>>
      %dma_start3A_103 = arith.constant 0 : i32
      %dma_start3A_104 = tpu.memref_slice %arg8[%add3A_81, %dma_start3A_103] : memref<10240x128xf32, #tpu.memory_space<vmem_shared>> -> memref<80x128xf32, #tpu.memory_space<vmem_shared>>
      tpu.enqueue_dma source(%dma_start3A_104 : memref<80x128xf32, #tpu.memory_space<vmem_shared>>) target(%arg7 : memref<80x128xf32, #tpu.memory_space<vmem>>) target_semaphore(%run_scoped3A : memref<!tpu.dma_semaphore, #tpu.memory_space<semaphore_mem>>)
      %dma_wait3A = arith.constant 0 : i32
      %dma_wait3A_105 = tpu.memref_slice %arg8[%add3A_81, %dma_wait3A] : memref<10240x128xf32, #tpu.memory_space<vmem_shared>> -> memref<80x128xf32, #tpu.memory_space<vmem_shared>>
      %dma_wait3A_106 = arith.constant 0 : i32
      %dma_wait3A_107 = tpu.memref_slice %arg8[%add3A_81, %dma_wait3A_106] : memref<10240x128xf32, #tpu.memory_space<vmem_shared>> -> memref<80x128xf32, #tpu.memory_space<vmem_shared>>
      tpu.wait_dma2 semaphore(%run_scoped3A : memref<!tpu.dma_semaphore, #tpu.memory_space<semaphore_mem>>) src(%dma_wait3A_107 : memref<80x128xf32, #tpu.memory_space<vmem_shared>>) dst(%arg7 : memref<80x128xf32, #tpu.memory_space<vmem>>)
      tpu.yield
    }) : () -> ()
    %mul3A_82 = arith.constant 640 : i32
    %mul3A_83 = arith.muli %arg1, %mul3A_82 : i32
    %add3A_84 = arith.constant 400 : i32
    %add3A_85 = arith.addi %mul3A_83, %add3A_84 : i32
    "tpu.region"() ({
      %run_scoped3A = tpu.sem_alloc : memref<!tpu.dma_semaphore, #tpu.memory_space<semaphore_mem>>
      %dma_start3A = arith.constant 0 : i32
      %dma_start3A_102 = tpu.memref_slice %arg5[%arg0, %add3A_85, %dma_start3A] : memref<2x10240x128xf32, #tpu.memory_space<hbm>> -> memref<1x80x128xf32, #tpu.memory_space<hbm>>
      %dma_start3A_103 = tpu.memref_squeeze %dma_start3A_102 : memref<1x80x128xf32, #tpu.memory_space<hbm>> -> memref<80x128xf32, #tpu.memory_space<hbm>>
      %dma_start3A_104 = arith.constant 0 : i32
      %dma_start3A_105 = tpu.memref_slice %arg5[%arg0, %add3A_85, %dma_start3A_104] : memref<2x10240x128xf32, #tpu.memory_space<hbm>> -> memref<1x80x128xf32, #tpu.memory_space<hbm>>
      %dma_start3A_106 = tpu.memref_squeeze %dma_start3A_105 : memref<1x80x128xf32, #tpu.memory_space<hbm>> -> memref<80x128xf32, #tpu.memory_space<hbm>>
      tpu.enqueue_dma source(%arg7 : memref<80x128xf32, #tpu.memory_space<vmem>>) target(%dma_start3A_106 : memref<80x128xf32, #tpu.memory_space<hbm>>) target_semaphore(%run_scoped3A : memref<!tpu.dma_semaphore, #tpu.memory_space<semaphore_mem>>)
      %dma_wait3A = arith.constant 0 : i32
      %dma_wait3A_107 = tpu.memref_slice %arg5[%arg0, %add3A_85, %dma_wait3A] : memref<2x10240x128xf32, #tpu.memory_space<hbm>> -> memref<1x80x128xf32, #tpu.memory_space<hbm>>
      %dma_wait3A_108 = tpu.memref_squeeze %dma_wait3A_107 : memref<1x80x128xf32, #tpu.memory_space<hbm>> -> memref<80x128xf32, #tpu.memory_space<hbm>>
      %dma_wait3A_109 = arith.constant 0 : i32
      %dma_wait3A_110 = tpu.memref_slice %arg5[%arg0, %add3A_85, %dma_wait3A_109] : memref<2x10240x128xf32, #tpu.memory_space<hbm>> -> memref<1x80x128xf32, #tpu.memory_space<hbm>>
      %dma_wait3A_111 = tpu.memref_squeeze %dma_wait3A_110 : memref<1x80x128xf32, #tpu.memory_space<hbm>> -> memref<80x128xf32, #tpu.memory_space<hbm>>
      tpu.wait_dma2 semaphore(%run_scoped3A : memref<!tpu.dma_semaphore, #tpu.memory_space<semaphore_mem>>) src(%arg7 : memref<80x128xf32, #tpu.memory_space<vmem>>) dst(%dma_wait3A_111 : memref<80x128xf32, #tpu.memory_space<hbm>>)
      tpu.yield
    }) : () -> ()
    %mul3A_86 = arith.constant 640 : i32
    %mul3A_87 = arith.muli %arg1, %mul3A_86 : i32
    %add3A_88 = arith.constant 480 : i32
    %add3A_89 = arith.addi %mul3A_87, %add3A_88 : i32
    "tpu.region"() ({
      %run_scoped3A = tpu.sem_alloc : memref<!tpu.dma_semaphore, #tpu.memory_space<semaphore_mem>>
      %dma_start3A = arith.constant 0 : i32
      %dma_start3A_102 = tpu.memref_slice %arg8[%add3A_89, %dma_start3A] : memref<10240x128xf32, #tpu.memory_space<vmem_shared>> -> memref<80x128xf32, #tpu.memory_space<vmem_shared>>
      %dma_start3A_103 = arith.constant 0 : i32
      %dma_start3A_104 = tpu.memref_slice %arg8[%add3A_89, %dma_start3A_103] : memref<10240x128xf32, #tpu.memory_space<vmem_shared>> -> memref<80x128xf32, #tpu.memory_space<vmem_shared>>
      tpu.enqueue_dma source(%dma_start3A_104 : memref<80x128xf32, #tpu.memory_space<vmem_shared>>) target(%arg7 : memref<80x128xf32, #tpu.memory_space<vmem>>) target_semaphore(%run_scoped3A : memref<!tpu.dma_semaphore, #tpu.memory_space<semaphore_mem>>)
      %dma_wait3A = arith.constant 0 : i32
      %dma_wait3A_105 = tpu.memref_slice %arg8[%add3A_89, %dma_wait3A] : memref<10240x128xf32, #tpu.memory_space<vmem_shared>> -> memref<80x128xf32, #tpu.memory_space<vmem_shared>>
      %dma_wait3A_106 = arith.constant 0 : i32
      %dma_wait3A_107 = tpu.memref_slice %arg8[%add3A_89, %dma_wait3A_106] : memref<10240x128xf32, #tpu.memory_space<vmem_shared>> -> memref<80x128xf32, #tpu.memory_space<vmem_shared>>
      tpu.wait_dma2 semaphore(%run_scoped3A : memref<!tpu.dma_semaphore, #tpu.memory_space<semaphore_mem>>) src(%dma_wait3A_107 : memref<80x128xf32, #tpu.memory_space<vmem_shared>>) dst(%arg7 : memref<80x128xf32, #tpu.memory_space<vmem>>)
      tpu.yield
    }) : () -> ()
    %mul3A_90 = arith.constant 640 : i32
    %mul3A_91 = arith.muli %arg1, %mul3A_90 : i32
    %add3A_92 = arith.constant 480 : i32
    %add3A_93 = arith.addi %mul3A_91, %add3A_92 : i32
    "tpu.region"() ({
      %run_scoped3A = tpu.sem_alloc : memref<!tpu.dma_semaphore, #tpu.memory_space<semaphore_mem>>
      %dma_start3A = arith.constant 0 : i32
      %dma_start3A_102 = tpu.memref_slice %arg5[%arg0, %add3A_93, %dma_start3A] : memref<2x10240x128xf32, #tpu.memory_space<hbm>> -> memref<1x80x128xf32, #tpu.memory_space<hbm>>
      %dma_start3A_103 = tpu.memref_squeeze %dma_start3A_102 : memref<1x80x128xf32, #tpu.memory_space<hbm>> -> memref<80x128xf32, #tpu.memory_space<hbm>>
      %dma_start3A_104 = arith.constant 0 : i32
      %dma_start3A_105 = tpu.memref_slice %arg5[%arg0, %add3A_93, %dma_start3A_104] : memref<2x10240x128xf32, #tpu.memory_space<hbm>> -> memref<1x80x128xf32, #tpu.memory_space<hbm>>
      %dma_start3A_106 = tpu.memref_squeeze %dma_start3A_105 : memref<1x80x128xf32, #tpu.memory_space<hbm>> -> memref<80x128xf32, #tpu.memory_space<hbm>>
      tpu.enqueue_dma source(%arg7 : memref<80x128xf32, #tpu.memory_space<vmem>>) target(%dma_start3A_106 : memref<80x128xf32, #tpu.memory_space<hbm>>) target_semaphore(%run_scoped3A : memref<!tpu.dma_semaphore, #tpu.memory_space<semaphore_mem>>)
      %dma_wait3A = arith.constant 0 : i32
      %dma_wait3A_107 = tpu.memref_slice %arg5[%arg0, %add3A_93, %dma_wait3A] : memref<2x10240x128xf32, #tpu.memory_space<hbm>> -> memref<1x80x128xf32, #tpu.memory_space<hbm>>
      %dma_wait3A_108 = tpu.memref_squeeze %dma_wait3A_107 : memref<1x80x128xf32, #tpu.memory_space<hbm>> -> memref<80x128xf32, #tpu.memory_space<hbm>>
      %dma_wait3A_109 = arith.constant 0 : i32
      %dma_wait3A_110 = tpu.memref_slice %arg5[%arg0, %add3A_93, %dma_wait3A_109] : memref<2x10240x128xf32, #tpu.memory_space<hbm>> -> memref<1x80x128xf32, #tpu.memory_space<hbm>>
      %dma_wait3A_111 = tpu.memref_squeeze %dma_wait3A_110 : memref<1x80x128xf32, #tpu.memory_space<hbm>> -> memref<80x128xf32, #tpu.memory_space<hbm>>
      tpu.wait_dma2 semaphore(%run_scoped3A : memref<!tpu.dma_semaphore, #tpu.memory_space<semaphore_mem>>) src(%arg7 : memref<80x128xf32, #tpu.memory_space<vmem>>) dst(%dma_wait3A_111 : memref<80x128xf32, #tpu.memory_space<hbm>>)
      tpu.yield
    }) : () -> ()
    %mul3A_94 = arith.constant 640 : i32
    %mul3A_95 = arith.muli %arg1, %mul3A_94 : i32
    %add3A_96 = arith.constant 560 : i32
    %add3A_97 = arith.addi %mul3A_95, %add3A_96 : i32
    "tpu.region"() ({
      %run_scoped3A = tpu.sem_alloc : memref<!tpu.dma_semaphore, #tpu.memory_space<semaphore_mem>>
      %dma_start3A = arith.constant 0 : i32
      %dma_start3A_102 = tpu.memref_slice %arg8[%add3A_97, %dma_start3A] : memref<10240x128xf32, #tpu.memory_space<vmem_shared>> -> memref<80x128xf32, #tpu.memory_space<vmem_shared>>
      %dma_start3A_103 = arith.constant 0 : i32
      %dma_start3A_104 = tpu.memref_slice %arg8[%add3A_97, %dma_start3A_103] : memref<10240x128xf32, #tpu.memory_space<vmem_shared>> -> memref<80x128xf32, #tpu.memory_space<vmem_shared>>
      tpu.enqueue_dma source(%dma_start3A_104 : memref<80x128xf32, #tpu.memory_space<vmem_shared>>) target(%arg7 : memref<80x128xf32, #tpu.memory_space<vmem>>) target_semaphore(%run_scoped3A : memref<!tpu.dma_semaphore, #tpu.memory_space<semaphore_mem>>)
      %dma_wait3A = arith.constant 0 : i32
      %dma_wait3A_105 = tpu.memref_slice %arg8[%add3A_97, %dma_wait3A] : memref<10240x128xf32, #tpu.memory_space<vmem_shared>> -> memref<80x128xf32, #tpu.memory_space<vmem_shared>>
      %dma_wait3A_106 = arith.constant 0 : i32
      %dma_wait3A_107 = tpu.memref_slice %arg8[%add3A_97, %dma_wait3A_106] : memref<10240x128xf32, #tpu.memory_space<vmem_shared>> -> memref<80x128xf32, #tpu.memory_space<vmem_shared>>
      tpu.wait_dma2 semaphore(%run_scoped3A : memref<!tpu.dma_semaphore, #tpu.memory_space<semaphore_mem>>) src(%dma_wait3A_107 : memref<80x128xf32, #tpu.memory_space<vmem_shared>>) dst(%arg7 : memref<80x128xf32, #tpu.memory_space<vmem>>)
      tpu.yield
    }) : () -> ()
    %mul3A_98 = arith.constant 640 : i32
    %mul3A_99 = arith.muli %arg1, %mul3A_98 : i32
    %add3A_100 = arith.constant 560 : i32
    %add3A_101 = arith.addi %mul3A_99, %add3A_100 : i32
    "tpu.region"() ({
      %run_scoped3A = tpu.sem_alloc : memref<!tpu.dma_semaphore, #tpu.memory_space<semaphore_mem>>
      %dma_start3A = arith.constant 0 : i32
      %dma_start3A_102 = tpu.memref_slice %arg5[%arg0, %add3A_101, %dma_start3A] : memref<2x10240x128xf32, #tpu.memory_space<hbm>> -> memref<1x80x128xf32, #tpu.memory_space<hbm>>
      %dma_start3A_103 = tpu.memref_squeeze %dma_start3A_102 : memref<1x80x128xf32, #tpu.memory_space<hbm>> -> memref<80x128xf32, #tpu.memory_space<hbm>>
      %dma_start3A_104 = arith.constant 0 : i32
      %dma_start3A_105 = tpu.memref_slice %arg5[%arg0, %add3A_101, %dma_start3A_104] : memref<2x10240x128xf32, #tpu.memory_space<hbm>> -> memref<1x80x128xf32, #tpu.memory_space<hbm>>
      %dma_start3A_106 = tpu.memref_squeeze %dma_start3A_105 : memref<1x80x128xf32, #tpu.memory_space<hbm>> -> memref<80x128xf32, #tpu.memory_space<hbm>>
      tpu.enqueue_dma source(%arg7 : memref<80x128xf32, #tpu.memory_space<vmem>>) target(%dma_start3A_106 : memref<80x128xf32, #tpu.memory_space<hbm>>) target_semaphore(%run_scoped3A : memref<!tpu.dma_semaphore, #tpu.memory_space<semaphore_mem>>)
      %dma_wait3A = arith.constant 0 : i32
      %dma_wait3A_107 = tpu.memref_slice %arg5[%arg0, %add3A_101, %dma_wait3A] : memref<2x10240x128xf32, #tpu.memory_space<hbm>> -> memref<1x80x128xf32, #tpu.memory_space<hbm>>
      %dma_wait3A_108 = tpu.memref_squeeze %dma_wait3A_107 : memref<1x80x128xf32, #tpu.memory_space<hbm>> -> memref<80x128xf32, #tpu.memory_space<hbm>>
      %dma_wait3A_109 = arith.constant 0 : i32
      %dma_wait3A_110 = tpu.memref_slice %arg5[%arg0, %add3A_101, %dma_wait3A_109] : memref<2x10240x128xf32, #tpu.memory_space<hbm>> -> memref<1x80x128xf32, #tpu.memory_space<hbm>>
      %dma_wait3A_111 = tpu.memref_squeeze %dma_wait3A_110 : memref<1x80x128xf32, #tpu.memory_space<hbm>> -> memref<80x128xf32, #tpu.memory_space<hbm>>
      tpu.wait_dma2 semaphore(%run_scoped3A : memref<!tpu.dma_semaphore, #tpu.memory_space<semaphore_mem>>) src(%arg7 : memref<80x128xf32, #tpu.memory_space<vmem>>) dst(%dma_wait3A_111 : memref<80x128xf32, #tpu.memory_space<hbm>>)
      tpu.yield
    }) : () -> ()
    return
  }
}

#map = affine_map<(d0, d1) -> (0, 0)>
#map1 = affine_map<(d0, d1) -> (0)>
module attributes {stable_mosaic.version = 14 : i64} {
  func.func @_gather(%arg0: i32, %arg1: i32, %arg2: memref<10000x128xi32, #tpu.memory_space<hbm>>, %arg3: memref<320000xi32, #tpu.memory_space<hbm>>, %arg4: memref<320000xi32, #tpu.memory_space<hbm>>, %arg5: memref<320000x128xi32, #tpu.memory_space<hbm>>, %arg6: memref<320000x128xi32, #tpu.memory_space<hbm>>, %arg7: memref<80xi32, #tpu.memory_space<vmem>>, %arg8: memref<80xi32, #tpu.memory_space<vmem>>, %arg9: memref<80x128xi32, #tpu.memory_space<vmem>>, %arg10: memref<80x128xi32, #tpu.memory_space<vmem>>, %arg11: memref<!tpu.dma_semaphore, #tpu.memory_space<semaphore_mem>>, %arg12: memref<!tpu.dma_semaphore, #tpu.memory_space<semaphore_mem>>) attributes {dimension_semantics = [#tpu.dimension_semantics<core_parallel>, #tpu.dimension_semantics<subcore_parallel>], iteration_bounds = array<i64: 2, 16>, scalar_prefetch = 0 : i64, scratch_operands = 6 : i64, tpu.core_type = #tpu.core_type<sc_vector_subcore>, window_params = [{transform_indices = #map}, {transform_indices = #map1}, {transform_indices = #map1}, {transform_indices = #map}, {transform_indices = #map}]} {
    %mul3A = arith.constant 16 : i32
    %mul3A_0 = arith.muli %arg0, %mul3A : i32
    %add3A = arith.addi %mul3A_0, %arg1 : i32
    %mul3A_1 = arith.constant 10000 : i32
    %mul3A_2 = arith.muli %add3A, %mul3A_1 : i32
    %scan3A = arith.constant 0 : i32
    %scan3A_3 = arith.constant 0 : i32
    %scan3A_4 = arith.constant 125 : i32
    %scan3A_5 = arith.addi %scan3A_3, %scan3A_4 : i32
    %scan3A_6 = arith.constant 1 : i32
    scf.for %scan3A_8 = %scan3A_3 to %scan3A_5 step %scan3A_6  : i32 {
      %mul3A_9 = arith.constant 80 : i32
      %mul3A_10 = arith.muli %scan3A_8, %mul3A_9 : i32
      %add3A_11 = arith.addi %mul3A_2, %mul3A_10 : i32
      "tpu.region"() ({
        %run_scoped3A = tpu.sem_alloc : memref<!tpu.dma_semaphore, #tpu.memory_space<semaphore_mem>>
        %dma_start3A_22 = tpu.memref_slice %arg3[%add3A_11] : memref<320000xi32, #tpu.memory_space<hbm>> -> memref<80xi32, #tpu.memory_space<hbm>>
        %dma_start3A_23 = tpu.memref_slice %arg3[%add3A_11] : memref<320000xi32, #tpu.memory_space<hbm>> -> memref<80xi32, #tpu.memory_space<hbm>>
        tpu.enqueue_dma source(%dma_start3A_23 : memref<80xi32, #tpu.memory_space<hbm>>) target(%arg7 : memref<80xi32, #tpu.memory_space<vmem>>) target_semaphore(%run_scoped3A : memref<!tpu.dma_semaphore, #tpu.memory_space<semaphore_mem>>)
        %dma_wait3A_24 = tpu.memref_slice %arg3[%add3A_11] : memref<320000xi32, #tpu.memory_space<hbm>> -> memref<80xi32, #tpu.memory_space<hbm>>
        %dma_wait3A_25 = tpu.memref_slice %arg3[%add3A_11] : memref<320000xi32, #tpu.memory_space<hbm>> -> memref<80xi32, #tpu.memory_space<hbm>>
        tpu.wait_dma2 semaphore(%run_scoped3A : memref<!tpu.dma_semaphore, #tpu.memory_space<semaphore_mem>>) src(%dma_wait3A_25 : memref<80xi32, #tpu.memory_space<hbm>>) dst(%arg7 : memref<80xi32, #tpu.memory_space<vmem>>)
        tpu.yield
      }) : () -> ()
      "tpu.region"() ({
        %run_scoped3A = tpu.sem_alloc : memref<!tpu.dma_semaphore, #tpu.memory_space<semaphore_mem>>
        %dma_start3A_22 = tpu.memref_slice %arg4[%add3A_11] : memref<320000xi32, #tpu.memory_space<hbm>> -> memref<80xi32, #tpu.memory_space<hbm>>
        %dma_start3A_23 = tpu.memref_slice %arg4[%add3A_11] : memref<320000xi32, #tpu.memory_space<hbm>> -> memref<80xi32, #tpu.memory_space<hbm>>
        tpu.enqueue_dma source(%dma_start3A_23 : memref<80xi32, #tpu.memory_space<hbm>>) target(%arg8 : memref<80xi32, #tpu.memory_space<vmem>>) target_semaphore(%run_scoped3A : memref<!tpu.dma_semaphore, #tpu.memory_space<semaphore_mem>>)
        %dma_wait3A_24 = tpu.memref_slice %arg4[%add3A_11] : memref<320000xi32, #tpu.memory_space<hbm>> -> memref<80xi32, #tpu.memory_space<hbm>>
        %dma_wait3A_25 = tpu.memref_slice %arg4[%add3A_11] : memref<320000xi32, #tpu.memory_space<hbm>> -> memref<80xi32, #tpu.memory_space<hbm>>
        tpu.wait_dma2 semaphore(%run_scoped3A : memref<!tpu.dma_semaphore, #tpu.memory_space<semaphore_mem>>) src(%dma_wait3A_25 : memref<80xi32, #tpu.memory_space<hbm>>) dst(%arg8 : memref<80xi32, #tpu.memory_space<vmem>>)
        tpu.yield
      }) : () -> ()
      %dma_start3A = arith.constant 0 : i32
      %dma_start3A_12 = arith.constant 0 : i32
      %dma_start3A_13 = tpu.memref_slice %arg2[%dma_start3A, %dma_start3A_12] : memref<10000x128xi32, #tpu.memory_space<hbm>> -> memref<10000x128xi32, #tpu.memory_space<hbm>>
      tpu.enqueue_indirect_dma source(%dma_start3A_13 : memref<10000x128xi32, #tpu.memory_space<hbm>>) target(%arg9 : memref<80x128xi32, #tpu.memory_space<vmem>>) offsets(%arg7 : memref<80xi32, #tpu.memory_space<vmem>>) semaphore(%arg11 : memref<!tpu.dma_semaphore, #tpu.memory_space<semaphore_mem>>)
      %dma_start3A_14 = arith.constant 0 : i32
      %dma_start3A_15 = arith.constant 0 : i32
      %dma_start3A_16 = tpu.memref_slice %arg2[%dma_start3A_14, %dma_start3A_15] : memref<10000x128xi32, #tpu.memory_space<hbm>> -> memref<10000x128xi32, #tpu.memory_space<hbm>>
      tpu.enqueue_indirect_dma source(%dma_start3A_16 : memref<10000x128xi32, #tpu.memory_space<hbm>>) target(%arg10 : memref<80x128xi32, #tpu.memory_space<vmem>>) offsets(%arg8 : memref<80xi32, #tpu.memory_space<vmem>>) semaphore(%arg12 : memref<!tpu.dma_semaphore, #tpu.memory_space<semaphore_mem>>)
      %dma_wait3A = arith.constant 0 : i32
      %dma_wait3A_17 = arith.constant 0 : i32
      %dma_wait3A_18 = tpu.memref_slice %arg2[%dma_wait3A, %dma_wait3A_17] : memref<10000x128xi32, #tpu.memory_space<hbm>> -> memref<10000x128xi32, #tpu.memory_space<hbm>>
      tpu.wait_indirect_dma semaphore(%arg11 : memref<!tpu.dma_semaphore, #tpu.memory_space<semaphore_mem>>) src(%dma_wait3A_18 : memref<10000x128xi32, #tpu.memory_space<hbm>>) dst(%arg9 : memref<80x128xi32, #tpu.memory_space<vmem>>)
      %dma_wait3A_19 = arith.constant 0 : i32
      %dma_wait3A_20 = arith.constant 0 : i32
      %dma_wait3A_21 = tpu.memref_slice %arg2[%dma_wait3A_19, %dma_wait3A_20] : memref<10000x128xi32, #tpu.memory_space<hbm>> -> memref<10000x128xi32, #tpu.memory_space<hbm>>
      tpu.wait_indirect_dma semaphore(%arg12 : memref<!tpu.dma_semaphore, #tpu.memory_space<semaphore_mem>>) src(%dma_wait3A_21 : memref<10000x128xi32, #tpu.memory_space<hbm>>) dst(%arg10 : memref<80x128xi32, #tpu.memory_space<vmem>>)
      "tpu.region"() ({
        %run_scoped3A = tpu.sem_alloc : memref<!tpu.dma_semaphore, #tpu.memory_space<semaphore_mem>>
        %dma_start3A_22 = arith.constant 0 : i32
        %dma_start3A_23 = tpu.memref_slice %arg5[%add3A_11, %dma_start3A_22] : memref<320000x128xi32, #tpu.memory_space<hbm>> -> memref<80x128xi32, #tpu.memory_space<hbm>>
        %dma_start3A_24 = arith.constant 0 : i32
        %dma_start3A_25 = tpu.memref_slice %arg5[%add3A_11, %dma_start3A_24] : memref<320000x128xi32, #tpu.memory_space<hbm>> -> memref<80x128xi32, #tpu.memory_space<hbm>>
        tpu.enqueue_dma source(%arg9 : memref<80x128xi32, #tpu.memory_space<vmem>>) target(%dma_start3A_25 : memref<80x128xi32, #tpu.memory_space<hbm>>) target_semaphore(%run_scoped3A : memref<!tpu.dma_semaphore, #tpu.memory_space<semaphore_mem>>)
        %dma_wait3A_26 = arith.constant 0 : i32
        %dma_wait3A_27 = tpu.memref_slice %arg5[%add3A_11, %dma_wait3A_26] : memref<320000x128xi32, #tpu.memory_space<hbm>> -> memref<80x128xi32, #tpu.memory_space<hbm>>
        %dma_wait3A_28 = arith.constant 0 : i32
        %dma_wait3A_29 = tpu.memref_slice %arg5[%add3A_11, %dma_wait3A_28] : memref<320000x128xi32, #tpu.memory_space<hbm>> -> memref<80x128xi32, #tpu.memory_space<hbm>>
        tpu.wait_dma2 semaphore(%run_scoped3A : memref<!tpu.dma_semaphore, #tpu.memory_space<semaphore_mem>>) src(%arg9 : memref<80x128xi32, #tpu.memory_space<vmem>>) dst(%dma_wait3A_29 : memref<80x128xi32, #tpu.memory_space<hbm>>)
        tpu.yield
      }) : () -> ()
      "tpu.region"() ({
        %run_scoped3A = tpu.sem_alloc : memref<!tpu.dma_semaphore, #tpu.memory_space<semaphore_mem>>
        %dma_start3A_22 = arith.constant 0 : i32
        %dma_start3A_23 = tpu.memref_slice %arg6[%add3A_11, %dma_start3A_22] : memref<320000x128xi32, #tpu.memory_space<hbm>> -> memref<80x128xi32, #tpu.memory_space<hbm>>
        %dma_start3A_24 = arith.constant 0 : i32
        %dma_start3A_25 = tpu.memref_slice %arg6[%add3A_11, %dma_start3A_24] : memref<320000x128xi32, #tpu.memory_space<hbm>> -> memref<80x128xi32, #tpu.memory_space<hbm>>
        tpu.enqueue_dma source(%arg10 : memref<80x128xi32, #tpu.memory_space<vmem>>) target(%dma_start3A_25 : memref<80x128xi32, #tpu.memory_space<hbm>>) target_semaphore(%run_scoped3A : memref<!tpu.dma_semaphore, #tpu.memory_space<semaphore_mem>>)
        %dma_wait3A_26 = arith.constant 0 : i32
        %dma_wait3A_27 = tpu.memref_slice %arg6[%add3A_11, %dma_wait3A_26] : memref<320000x128xi32, #tpu.memory_space<hbm>> -> memref<80x128xi32, #tpu.memory_space<hbm>>
        %dma_wait3A_28 = arith.constant 0 : i32
        %dma_wait3A_29 = tpu.memref_slice %arg6[%add3A_11, %dma_wait3A_28] : memref<320000x128xi32, #tpu.memory_space<hbm>> -> memref<80x128xi32, #tpu.memory_space<hbm>>
        tpu.wait_dma2 semaphore(%run_scoped3A : memref<!tpu.dma_semaphore, #tpu.memory_space<semaphore_mem>>) src(%arg10 : memref<80x128xi32, #tpu.memory_space<vmem>>) dst(%dma_wait3A_29 : memref<80x128xi32, #tpu.memory_space<hbm>>)
        tpu.yield
      }) : () -> ()
    }
    %scan3A_7 = arith.constant 125 : i32
    return
  }
}

module attributes {stable_mosaic.version = 14 : i64} {
  func.func @_node_pre_body(%arg0: i32, %arg1: memref<1000x128xf32, #tpu.memory_space<vmem>>, %arg2: memref<128x128xf32, #tpu.memory_space<vmem>>, %arg3: memref<3x128xf32, #tpu.memory_space<vmem>>, %arg4: memref<128x128xf32, #tpu.memory_space<vmem>>, %arg5: memref<1x128xf32, #tpu.memory_space<vmem>>, %arg6: memref<1000x128xi32, #tpu.memory_space<vmem>>) attributes {dimension_semantics = [#tpu.dimension_semantics<arbitrary>], iteration_bounds = array<i64: 10>, scalar_prefetch = 0 : i64, scratch_operands = 0 : i64, tpu.core_type = #tpu.core_type<tc>, window_params = [{transform_indices = @transform_0, window_bounds = array<i64: 1000, 128>}, {pipeline_mode = #tpu.pipeline_mode<synchronous>, transform_indices = @transform_1, window_bounds = array<i64: 128, 128>}, {pipeline_mode = #tpu.pipeline_mode<synchronous>, transform_indices = @transform_2, window_bounds = array<i64: 3, 128>}, {pipeline_mode = #tpu.pipeline_mode<synchronous>, transform_indices = @transform_3, window_bounds = array<i64: 128, 128>}, {pipeline_mode = #tpu.pipeline_mode<synchronous>, transform_indices = @transform_4, window_bounds = array<i64: 1, 128>}, {transform_indices = @transform_5, window_bounds = array<i64: 1000, 128>}]} {
    %get3A = arith.constant 0 : index
    %get3A_0 = arith.constant 0 : index
    %get3A_1 = vector.load %arg1[%get3A, %get3A_0] : memref<1000x128xf32, #tpu.memory_space<vmem>>, vector<1000x128xf32>
    %get3A_2 = arith.constant 0 : index
    %get3A_3 = arith.constant 0 : index
    %get3A_4 = vector.load %arg2[%get3A_2, %get3A_3] : memref<128x128xf32, #tpu.memory_space<vmem>>, vector<128x128xf32>
    %dot_general3A = arith.constant dense<0.000000e+00> : vector<1000x128xf32>
    %dot_general3A_5 = tpu.matmul %get3A_1, %get3A_4, %dot_general3A {dimension_numbers = #tpu.dot_dimension_numbers<[1], [0], [0], [1], [0, 0, 1, 1], [], []>, transpose_lhs_hint = false} : vector<1000x128xf32>, vector<128x128xf32>, vector<1000x128xf32> -> vector<1000x128xf32>
    %get3A_6 = arith.constant 0 : index
    %get3A_7 = arith.constant 0 : index
    %get3A_8 = vector.load %arg3[%get3A_6, %get3A_7] : memref<3x128xf32, #tpu.memory_space<vmem>>, vector<1x128xf32>
    %add3A = vector.broadcast %get3A_8 : vector<1x128xf32> to vector<1000x128xf32>
    %add3A_9 = arith.addf %dot_general3A_5, %add3A : vector<1000x128xf32>
    %get3A_10 = arith.constant 1 : index
    %get3A_11 = arith.constant 0 : index
    %get3A_12 = vector.load %arg3[%get3A_10, %get3A_11] : memref<3x128xf32, #tpu.memory_space<vmem>>, vector<1x128xf32>
    %get3A_13 = arith.constant 2 : index
    %get3A_14 = arith.constant 0 : index
    %get3A_15 = vector.load %arg3[%get3A_13, %get3A_14] : memref<3x128xf32, #tpu.memory_space<vmem>>, vector<1x128xf32>
    %reduce_sum3A = arith.constant dense<0.000000e+00> : vector<1000xf32>
    %reduce_sum3A_16 = vector.multi_reduction <add>, %add3A_9, %reduce_sum3A [1] : vector<1000x128xf32> to vector<1000xf32>
    %broadcast_in_dim3A = vector.shape_cast %reduce_sum3A_16 : vector<1000xf32> to vector<1000x1xf32>
    %div3A = arith.constant 1.280000e+02 : f32
    %div3A_17 = vector.broadcast %div3A : f32 to vector<1000x1xf32>
    %div3A_18 = arith.divf %broadcast_in_dim3A, %div3A_17 : vector<1000x1xf32>
    %sub3A = vector.broadcast %div3A_18 : vector<1000x1xf32> to vector<1000x128xf32>
    %sub3A_19 = arith.subf %add3A_9, %sub3A : vector<1000x128xf32>
    %integer_pow3A = arith.mulf %sub3A_19, %sub3A_19 : vector<1000x128xf32>
    %reduce_sum3A_20 = arith.constant dense<0.000000e+00> : vector<1000xf32>
    %reduce_sum3A_21 = vector.multi_reduction <add>, %integer_pow3A, %reduce_sum3A_20 [1] : vector<1000x128xf32> to vector<1000xf32>
    %broadcast_in_dim3A_22 = vector.shape_cast %reduce_sum3A_21 : vector<1000xf32> to vector<1000x1xf32>
    %div3A_23 = arith.constant 1.280000e+02 : f32
    %div3A_24 = vector.broadcast %div3A_23 : f32 to vector<1000x1xf32>
    %div3A_25 = arith.divf %broadcast_in_dim3A_22, %div3A_24 : vector<1000x1xf32>
    %sub3A_26 = vector.broadcast %div3A_18 : vector<1000x1xf32> to vector<1000x128xf32>
    %sub3A_27 = arith.subf %add3A_9, %sub3A_26 : vector<1000x128xf32>
    %add3A_28 = arith.constant 9.99999974E-6 : f32
    %add3A_29 = vector.broadcast %add3A_28 : f32 to vector<1000x1xf32>
    %add3A_30 = arith.addf %div3A_25, %add3A_29 : vector<1000x1xf32>
    %sqrt3A = math.sqrt %add3A_30 : vector<1000x1xf32>
    %div3A_31 = vector.broadcast %sqrt3A : vector<1000x1xf32> to vector<1000x128xf32>
    %div3A_32 = arith.divf %sub3A_27, %div3A_31 : vector<1000x128xf32>
    %mul3A = vector.broadcast %get3A_12 : vector<1x128xf32> to vector<1000x128xf32>
    %mul3A_33 = arith.mulf %div3A_32, %mul3A : vector<1000x128xf32>
    %add3A_34 = vector.broadcast %get3A_15 : vector<1x128xf32> to vector<1000x128xf32>
    %add3A_35 = arith.addf %mul3A_33, %add3A_34 : vector<1000x128xf32>
    %max3A = arith.constant 0.000000e+00 : f32
    %max3A_36 = vector.broadcast %max3A : f32 to vector<1000x128xf32>
    %max3A_37 = arith.maximumf %add3A_35, %max3A_36 : vector<1000x128xf32>
    %get3A_38 = arith.constant 0 : index
    %get3A_39 = arith.constant 0 : index
    %get3A_40 = vector.load %arg4[%get3A_38, %get3A_39] : memref<128x128xf32, #tpu.memory_space<vmem>>, vector<128x128xf32>
    %dot_general3A_41 = arith.constant dense<0.000000e+00> : vector<1000x128xf32>
    %dot_general3A_42 = tpu.matmul %max3A_37, %get3A_40, %dot_general3A_41 {dimension_numbers = #tpu.dot_dimension_numbers<[1], [0], [0], [1], [0, 0, 1, 1], [], []>, transpose_lhs_hint = false} : vector<1000x128xf32>, vector<128x128xf32>, vector<1000x128xf32> -> vector<1000x128xf32>
    %get3A_43 = arith.constant 0 : index
    %get3A_44 = arith.constant 0 : index
    %get3A_45 = vector.load %arg5[%get3A_43, %get3A_44] : memref<1x128xf32, #tpu.memory_space<vmem>>, vector<1x128xf32>
    %add3A_46 = vector.broadcast %get3A_45 : vector<1x128xf32> to vector<1000x128xf32>
    %add3A_47 = arith.addf %dot_general3A_42, %add3A_46 : vector<1000x128xf32>
    %bitcast_convert_type3A = tpu.bitcast %get3A_1 : vector<1000x128xf32> -> vector<1000x128xi32>
    %bitcast_convert_type3A_48 = tpu.bitcast %add3A_47 : vector<1000x128xf32> -> vector<1000x128xi32>
    %add3A_49 = arith.constant 32767 : i32
    %add3A_50 = vector.broadcast %add3A_49 : i32 to vector<1000x128xi32>
    %add3A_51 = arith.addi %bitcast_convert_type3A, %add3A_50 : vector<1000x128xi32>
    %shift_right_arithmetic3A = arith.constant 16 : i32
    %shift_right_arithmetic3A_52 = vector.broadcast %shift_right_arithmetic3A : i32 to vector<1000x128xi32>
    %shift_right_arithmetic3A_53 = arith.shrsi %bitcast_convert_type3A, %shift_right_arithmetic3A_52 : vector<1000x128xi32>
    %and3A = arith.constant 1 : i32
    %and3A_54 = vector.broadcast %and3A : i32 to vector<1000x128xi32>
    %and3A_55 = arith.andi %shift_right_arithmetic3A_53, %and3A_54 : vector<1000x128xi32>
    %add3A_56 = arith.addi %add3A_51, %and3A_55 : vector<1000x128xi32>
    %add3A_57 = arith.constant 32767 : i32
    %add3A_58 = vector.broadcast %add3A_57 : i32 to vector<1000x128xi32>
    %add3A_59 = arith.addi %bitcast_convert_type3A_48, %add3A_58 : vector<1000x128xi32>
    %shift_right_arithmetic3A_60 = arith.constant 16 : i32
    %shift_right_arithmetic3A_61 = vector.broadcast %shift_right_arithmetic3A_60 : i32 to vector<1000x128xi32>
    %shift_right_arithmetic3A_62 = arith.shrsi %bitcast_convert_type3A_48, %shift_right_arithmetic3A_61 : vector<1000x128xi32>
    %and3A_63 = arith.constant 1 : i32
    %and3A_64 = vector.broadcast %and3A_63 : i32 to vector<1000x128xi32>
    %and3A_65 = arith.andi %shift_right_arithmetic3A_62, %and3A_64 : vector<1000x128xi32>
    %add3A_66 = arith.addi %add3A_59, %and3A_65 : vector<1000x128xi32>
    %shift_right_arithmetic3A_67 = arith.constant 16 : i32
    %shift_right_arithmetic3A_68 = vector.broadcast %shift_right_arithmetic3A_67 : i32 to vector<1000x128xi32>
    %shift_right_arithmetic3A_69 = arith.shrsi %add3A_56, %shift_right_arithmetic3A_68 : vector<1000x128xi32>
    %and3A_70 = arith.constant 65535 : i32
    %and3A_71 = vector.broadcast %and3A_70 : i32 to vector<1000x128xi32>
    %and3A_72 = arith.andi %shift_right_arithmetic3A_69, %and3A_71 : vector<1000x128xi32>
    %and3A_73 = arith.constant -65536 : i32
    %and3A_74 = vector.broadcast %and3A_73 : i32 to vector<1000x128xi32>
    %and3A_75 = arith.andi %add3A_66, %and3A_74 : vector<1000x128xi32>
    %or3A = arith.ori %and3A_72, %and3A_75 : vector<1000x128xi32>
    %swap3A = arith.constant 0 : index
    %swap3A_76 = arith.constant 0 : index
    %swap3A_77 = vector.load %arg6[%swap3A, %swap3A_76] : memref<1000x128xi32, #tpu.memory_space<vmem>>, vector<1000x128xi32>
    tpu.vector_store %arg6[%swap3A, %swap3A_76], %or3A {strides = array<i32>} : memref<1000x128xi32, #tpu.memory_space<vmem>>, vector<1000x128xi32>,
    return
  }
  func.func @transform_0(%arg0: i32) -> (i32, i32) {
    %c0_i32 = arith.constant 0 : i32
    %c0_i32_0 = arith.constant 0 : i32
    return %arg0, %c0_i32 : i32, i32
  }
  func.func @transform_1(%arg0: i32) -> (i32, i32) {
    %c0_i32 = arith.constant 0 : i32
    %c0_i32_0 = arith.constant 0 : i32
    %c0_i32_1 = arith.constant 0 : i32
    return %c0_i32, %c0_i32_0 : i32, i32
  }
  func.func @transform_2(%arg0: i32) -> (i32, i32) {
    %c0_i32 = arith.constant 0 : i32
    %c0_i32_0 = arith.constant 0 : i32
    %c0_i32_1 = arith.constant 0 : i32
    return %c0_i32, %c0_i32_0 : i32, i32
  }
  func.func @transform_3(%arg0: i32) -> (i32, i32) {
    %c0_i32 = arith.constant 0 : i32
    %c0_i32_0 = arith.constant 0 : i32
    %c0_i32_1 = arith.constant 0 : i32
    return %c0_i32, %c0_i32_0 : i32, i32
  }
  func.func @transform_4(%arg0: i32) -> (i32, i32) {
    %c0_i32 = arith.constant 0 : i32
    %c0_i32_0 = arith.constant 0 : i32
    %c0_i32_1 = arith.constant 0 : i32
    return %c0_i32, %c0_i32_0 : i32, i32
  }
  func.func @transform_5(%arg0: i32) -> (i32, i32) {
    %c0_i32 = arith.constant 0 : i32
    %c0_i32_0 = arith.constant 0 : i32
    return %arg0, %c0_i32 : i32, i32
  }
}

module attributes {stable_mosaic.version = 14 : i64} {
  func.func @_edge_body(%arg0: i32, %arg1: memref<1024x128xi32, #tpu.memory_space<vmem>>, %arg2: memref<1024x128xi32, #tpu.memory_space<vmem>>, %arg3: memref<1024x16xf32, #tpu.memory_space<vmem>>, %arg4: memref<16x256xf32, #tpu.memory_space<vmem>>, %arg5: memref<128x256xbf16, #tpu.memory_space<vmem>>, %arg6: memref<128x256xbf16, #tpu.memory_space<vmem>>, %arg7: memref<3x256xf32, #tpu.memory_space<vmem>>, %arg8: memref<128x128xbf16, #tpu.memory_space<vmem>>, %arg9: memref<128x128xbf16, #tpu.memory_space<vmem>>, %arg10: memref<2x128xf32, #tpu.memory_space<vmem>>, %arg11: memref<128x128xf32, #tpu.memory_space<vmem>>, %arg12: memref<128x64xf32, #tpu.memory_space<vmem>>, %arg13: memref<128x64xf32, #tpu.memory_space<vmem>>, %arg14: memref<2x1024x128xf32, #tpu.memory_space<vmem>>) attributes {dimension_semantics = [#tpu.dimension_semantics<arbitrary>], iteration_bounds = array<i64: 312>, scalar_prefetch = 0 : i64, scratch_operands = 0 : i64, tpu.core_type = #tpu.core_type<tc>, window_params = [{transform_indices = @transform_0, window_bounds = array<i64: 1024, 128>}, {transform_indices = @transform_1, window_bounds = array<i64: 1024, 128>}, {transform_indices = @transform_2, window_bounds = array<i64: 1024, 16>}, {pipeline_mode = #tpu.pipeline_mode<synchronous>, transform_indices = @transform_3, window_bounds = array<i64: 16, 256>}, {pipeline_mode = #tpu.pipeline_mode<synchronous>, transform_indices = @transform_4, window_bounds = array<i64: 128, 256>}, {pipeline_mode = #tpu.pipeline_mode<synchronous>, transform_indices = @transform_5, window_bounds = array<i64: 128, 256>}, {pipeline_mode = #tpu.pipeline_mode<synchronous>, transform_indices = @transform_6, window_bounds = array<i64: 3, 256>}, {pipeline_mode = #tpu.pipeline_mode<synchronous>, transform_indices = @transform_7, window_bounds = array<i64: 128, 128>}, {pipeline_mode = #tpu.pipeline_mode<synchronous>, transform_indices = @transform_8, window_bounds = array<i64: 128, 128>}, {pipeline_mode = #tpu.pipeline_mode<synchronous>, transform_indices = @transform_9, window_bounds = array<i64: 2, 128>}, {pipeline_mode = #tpu.pipeline_mode<synchronous>, transform_indices = @transform_10, window_bounds = array<i64: 128, 128>}, {pipeline_mode = #tpu.pipeline_mode<synchronous>, transform_indices = @transform_11, window_bounds = array<i64: 128, 64>}, {pipeline_mode = #tpu.pipeline_mode<synchronous>, transform_indices = @transform_12, window_bounds = array<i64: 128, 64>}, {transform_indices = @transform_13, window_bounds = array<i64: 2, 1024, 128>}]} {
    %get3A = arith.constant 0 : index
    %get3A_0 = arith.constant 0 : index
    %get3A_1 = vector.load %arg1[%get3A, %get3A_0] : memref<1024x128xi32, #tpu.memory_space<vmem>>, vector<1024x128xi32>
    %get3A_2 = arith.constant 0 : index
    %get3A_3 = arith.constant 0 : index
    %get3A_4 = vector.load %arg2[%get3A_2, %get3A_3] : memref<1024x128xi32, #tpu.memory_space<vmem>>, vector<1024x128xi32>
    %shift_left3A = arith.constant 16 : i32
    %shift_left3A_5 = vector.broadcast %shift_left3A : i32 to vector<1024x128xi32>
    %shift_left3A_6 = arith.shli %get3A_1, %shift_left3A_5 : vector<1024x128xi32>
    %bitcast_convert_type3A = tpu.bitcast %shift_left3A_6 : vector<1024x128xi32> -> vector<1024x128xf32>
    %convert_element_type3A = arith.truncf %bitcast_convert_type3A : vector<1024x128xf32> to vector<1024x128xbf16>
    %and3A = arith.constant -65536 : i32
    %and3A_7 = vector.broadcast %and3A : i32 to vector<1024x128xi32>
    %and3A_8 = arith.andi %get3A_1, %and3A_7 : vector<1024x128xi32>
    %bitcast_convert_type3A_9 = tpu.bitcast %and3A_8 : vector<1024x128xi32> -> vector<1024x128xf32>
    %shift_left3A_10 = arith.constant 16 : i32
    %shift_left3A_11 = vector.broadcast %shift_left3A_10 : i32 to vector<1024x128xi32>
    %shift_left3A_12 = arith.shli %get3A_4, %shift_left3A_11 : vector<1024x128xi32>
    %bitcast_convert_type3A_13 = tpu.bitcast %shift_left3A_12 : vector<1024x128xi32> -> vector<1024x128xf32>
    %convert_element_type3A_14 = arith.truncf %bitcast_convert_type3A_13 : vector<1024x128xf32> to vector<1024x128xbf16>
    %get3A_15 = arith.constant 0 : index
    %get3A_16 = arith.constant 0 : index
    %get3A_17 = vector.load %arg5[%get3A_15, %get3A_16] : memref<128x256xbf16, #tpu.memory_space<vmem>>, vector<128x256xbf16>
    %dot_general3A = arith.constant dense<0.000000e+00> : vector<1024x256xf32>
    %dot_general3A_18 = tpu.matmul %convert_element_type3A, %get3A_17, %dot_general3A {dimension_numbers = #tpu.dot_dimension_numbers<[1], [0], [0], [1], [0, 0, 1, 1], [], []>, transpose_lhs_hint = false} : vector<1024x128xbf16>, vector<128x256xbf16>, vector<1024x256xf32> -> vector<1024x256xf32>
    %get3A_19 = arith.constant 0 : index
    %get3A_20 = arith.constant 0 : index
    %get3A_21 = vector.load %arg6[%get3A_19, %get3A_20] : memref<128x256xbf16, #tpu.memory_space<vmem>>, vector<128x256xbf16>
    %dot_general3A_22 = arith.constant dense<0.000000e+00> : vector<1024x256xf32>
    %dot_general3A_23 = tpu.matmul %convert_element_type3A_14, %get3A_21, %dot_general3A_22 {dimension_numbers = #tpu.dot_dimension_numbers<[1], [0], [0], [1], [0, 0, 1, 1], [], []>, transpose_lhs_hint = false} : vector<1024x128xbf16>, vector<128x256xbf16>, vector<1024x256xf32> -> vector<1024x256xf32>
    %add3A = arith.addf %dot_general3A_18, %dot_general3A_23 : vector<1024x256xf32>
    %get3A_24 = arith.constant 0 : index
    %get3A_25 = arith.constant 0 : index
    %get3A_26 = vector.load %arg3[%get3A_24, %get3A_25] : memref<1024x16xf32, #tpu.memory_space<vmem>>, vector<1024x16xf32>
    %get3A_27 = arith.constant 0 : index
    %get3A_28 = arith.constant 0 : index
    %get3A_29 = vector.load %arg4[%get3A_27, %get3A_28] : memref<16x256xf32, #tpu.memory_space<vmem>>, vector<16x256xf32>
    %dot_general3A_30 = arith.constant dense<0.000000e+00> : vector<1024x256xf32>
    %dot_general3A_31 = tpu.matmul %get3A_26, %get3A_29, %dot_general3A_30 {dimension_numbers = #tpu.dot_dimension_numbers<[1], [0], [0], [1], [0, 0, 1, 1], [], []>, transpose_lhs_hint = false} : vector<1024x16xf32>, vector<16x256xf32>, vector<1024x256xf32> -> vector<1024x256xf32>
    %add3A_32 = arith.addf %add3A, %dot_general3A_31 : vector<1024x256xf32>
    %get3A_33 = arith.constant 0 : index
    %get3A_34 = arith.constant 0 : index
    %get3A_35 = vector.load %arg7[%get3A_33, %get3A_34] : memref<3x256xf32, #tpu.memory_space<vmem>>, vector<1x256xf32>
    %add3A_36 = vector.broadcast %get3A_35 : vector<1x256xf32> to vector<1024x256xf32>
    %add3A_37 = arith.addf %add3A_32, %add3A_36 : vector<1024x256xf32>
    %slice3A = vector.extract_strided_slice %add3A_37 {offsets = [0, 0], sizes = [1024, 128], strides = [1, 1]} : vector<1024x256xf32> to vector<1024x128xf32>
    %get3A_38 = arith.constant 1 : index
    %get3A_39 = arith.constant 0 : index
    %get3A_40 = vector.load %arg7[%get3A_38, %get3A_39] : memref<3x256xf32, #tpu.memory_space<vmem>>, vector<1x128xf32>
    %get3A_41 = arith.constant 2 : index
    %get3A_42 = arith.constant 0 : index
    %get3A_43 = vector.load %arg7[%get3A_41, %get3A_42] : memref<3x256xf32, #tpu.memory_space<vmem>>, vector<1x128xf32>
    %reduce_sum3A = arith.constant dense<0.000000e+00> : vector<1024xf32>
    %reduce_sum3A_44 = vector.multi_reduction <add>, %slice3A, %reduce_sum3A [1] : vector<1024x128xf32> to vector<1024xf32>
    %broadcast_in_dim3A = vector.shape_cast %reduce_sum3A_44 : vector<1024xf32> to vector<1024x1xf32>
    %div3A = arith.constant 1.280000e+02 : f32
    %div3A_45 = vector.broadcast %div3A : f32 to vector<1024x1xf32>
    %div3A_46 = arith.divf %broadcast_in_dim3A, %div3A_45 : vector<1024x1xf32>
    %sub3A = vector.broadcast %div3A_46 : vector<1024x1xf32> to vector<1024x128xf32>
    %sub3A_47 = arith.subf %slice3A, %sub3A : vector<1024x128xf32>
    %integer_pow3A = arith.mulf %sub3A_47, %sub3A_47 : vector<1024x128xf32>
    %reduce_sum3A_48 = arith.constant dense<0.000000e+00> : vector<1024xf32>
    %reduce_sum3A_49 = vector.multi_reduction <add>, %integer_pow3A, %reduce_sum3A_48 [1] : vector<1024x128xf32> to vector<1024xf32>
    %broadcast_in_dim3A_50 = vector.shape_cast %reduce_sum3A_49 : vector<1024xf32> to vector<1024x1xf32>
    %div3A_51 = arith.constant 1.280000e+02 : f32
    %div3A_52 = vector.broadcast %div3A_51 : f32 to vector<1024x1xf32>
    %div3A_53 = arith.divf %broadcast_in_dim3A_50, %div3A_52 : vector<1024x1xf32>
    %sub3A_54 = vector.broadcast %div3A_46 : vector<1024x1xf32> to vector<1024x128xf32>
    %sub3A_55 = arith.subf %slice3A, %sub3A_54 : vector<1024x128xf32>
    %add3A_56 = arith.constant 9.99999974E-6 : f32
    %add3A_57 = vector.broadcast %add3A_56 : f32 to vector<1024x1xf32>
    %add3A_58 = arith.addf %div3A_53, %add3A_57 : vector<1024x1xf32>
    %sqrt3A = math.sqrt %add3A_58 : vector<1024x1xf32>
    %div3A_59 = vector.broadcast %sqrt3A : vector<1024x1xf32> to vector<1024x128xf32>
    %div3A_60 = arith.divf %sub3A_55, %div3A_59 : vector<1024x128xf32>
    %mul3A = vector.broadcast %get3A_40 : vector<1x128xf32> to vector<1024x128xf32>
    %mul3A_61 = arith.mulf %div3A_60, %mul3A : vector<1024x128xf32>
    %add3A_62 = vector.broadcast %get3A_43 : vector<1x128xf32> to vector<1024x128xf32>
    %add3A_63 = arith.addf %mul3A_61, %add3A_62 : vector<1024x128xf32>
    %max3A = arith.constant 0.000000e+00 : f32
    %max3A_64 = vector.broadcast %max3A : f32 to vector<1024x128xf32>
    %max3A_65 = arith.maximumf %add3A_63, %max3A_64 : vector<1024x128xf32>
    %slice3A_66 = vector.extract_strided_slice %add3A_37 {offsets = [0, 128], sizes = [1024, 128], strides = [1, 1]} : vector<1024x256xf32> to vector<1024x128xf32>
    %get3A_67 = arith.constant 1 : index
    %get3A_68 = arith.constant 128 : index
    %get3A_69 = vector.load %arg7[%get3A_67, %get3A_68] : memref<3x256xf32, #tpu.memory_space<vmem>>, vector<1x128xf32>
    %get3A_70 = arith.constant 2 : index
    %get3A_71 = arith.constant 128 : index
    %get3A_72 = vector.load %arg7[%get3A_70, %get3A_71] : memref<3x256xf32, #tpu.memory_space<vmem>>, vector<1x128xf32>
    %reduce_sum3A_73 = arith.constant dense<0.000000e+00> : vector<1024xf32>
    %reduce_sum3A_74 = vector.multi_reduction <add>, %slice3A_66, %reduce_sum3A_73 [1] : vector<1024x128xf32> to vector<1024xf32>
    %broadcast_in_dim3A_75 = vector.shape_cast %reduce_sum3A_74 : vector<1024xf32> to vector<1024x1xf32>
    %div3A_76 = arith.constant 1.280000e+02 : f32
    %div3A_77 = vector.broadcast %div3A_76 : f32 to vector<1024x1xf32>
    %div3A_78 = arith.divf %broadcast_in_dim3A_75, %div3A_77 : vector<1024x1xf32>
    %sub3A_79 = vector.broadcast %div3A_78 : vector<1024x1xf32> to vector<1024x128xf32>
    %sub3A_80 = arith.subf %slice3A_66, %sub3A_79 : vector<1024x128xf32>
    %integer_pow3A_81 = arith.mulf %sub3A_80, %sub3A_80 : vector<1024x128xf32>
    %reduce_sum3A_82 = arith.constant dense<0.000000e+00> : vector<1024xf32>
    %reduce_sum3A_83 = vector.multi_reduction <add>, %integer_pow3A_81, %reduce_sum3A_82 [1] : vector<1024x128xf32> to vector<1024xf32>
    %broadcast_in_dim3A_84 = vector.shape_cast %reduce_sum3A_83 : vector<1024xf32> to vector<1024x1xf32>
    %div3A_85 = arith.constant 1.280000e+02 : f32
    %div3A_86 = vector.broadcast %div3A_85 : f32 to vector<1024x1xf32>
    %div3A_87 = arith.divf %broadcast_in_dim3A_84, %div3A_86 : vector<1024x1xf32>
    %sub3A_88 = vector.broadcast %div3A_78 : vector<1024x1xf32> to vector<1024x128xf32>
    %sub3A_89 = arith.subf %slice3A_66, %sub3A_88 : vector<1024x128xf32>
    %add3A_90 = arith.constant 9.99999974E-6 : f32
    %add3A_91 = vector.broadcast %add3A_90 : f32 to vector<1024x1xf32>
    %add3A_92 = arith.addf %div3A_87, %add3A_91 : vector<1024x1xf32>
    %sqrt3A_93 = math.sqrt %add3A_92 : vector<1024x1xf32>
    %div3A_94 = vector.broadcast %sqrt3A_93 : vector<1024x1xf32> to vector<1024x128xf32>
    %div3A_95 = arith.divf %sub3A_89, %div3A_94 : vector<1024x128xf32>
    %mul3A_96 = vector.broadcast %get3A_69 : vector<1x128xf32> to vector<1024x128xf32>
    %mul3A_97 = arith.mulf %div3A_95, %mul3A_96 : vector<1024x128xf32>
    %add3A_98 = vector.broadcast %get3A_72 : vector<1x128xf32> to vector<1024x128xf32>
    %add3A_99 = arith.addf %mul3A_97, %add3A_98 : vector<1024x128xf32>
    %max3A_100 = arith.constant 0.000000e+00 : f32
    %max3A_101 = vector.broadcast %max3A_100 : f32 to vector<1024x128xf32>
    %max3A_102 = arith.maximumf %add3A_99, %max3A_101 : vector<1024x128xf32>
    %convert_element_type3A_103 = arith.truncf %max3A_65 : vector<1024x128xf32> to vector<1024x128xbf16>
    %get3A_104 = arith.constant 0 : index
    %get3A_105 = arith.constant 0 : index
    %get3A_106 = vector.load %arg8[%get3A_104, %get3A_105] : memref<128x128xbf16, #tpu.memory_space<vmem>>, vector<128x128xbf16>
    %dot_general3A_107 = arith.constant dense<0.000000e+00> : vector<1024x128xf32>
    %dot_general3A_108 = tpu.matmul %convert_element_type3A_103, %get3A_106, %dot_general3A_107 {dimension_numbers = #tpu.dot_dimension_numbers<[1], [0], [0], [1], [0, 0, 1, 1], [], []>, transpose_lhs_hint = false} : vector<1024x128xbf16>, vector<128x128xbf16>, vector<1024x128xf32> -> vector<1024x128xf32>
    %get3A_109 = arith.constant 0 : index
    %get3A_110 = arith.constant 0 : index
    %get3A_111 = vector.load %arg10[%get3A_109, %get3A_110] : memref<2x128xf32, #tpu.memory_space<vmem>>, vector<1x128xf32>
    %add3A_112 = vector.broadcast %get3A_111 : vector<1x128xf32> to vector<1024x128xf32>
    %add3A_113 = arith.addf %dot_general3A_108, %add3A_112 : vector<1024x128xf32>
    %convert_element_type3A_114 = arith.truncf %max3A_102 : vector<1024x128xf32> to vector<1024x128xbf16>
    %get3A_115 = arith.constant 0 : index
    %get3A_116 = arith.constant 0 : index
    %get3A_117 = vector.load %arg9[%get3A_115, %get3A_116] : memref<128x128xbf16, #tpu.memory_space<vmem>>, vector<128x128xbf16>
    %dot_general3A_118 = arith.constant dense<0.000000e+00> : vector<1024x128xf32>
    %dot_general3A_119 = tpu.matmul %convert_element_type3A_114, %get3A_117, %dot_general3A_118 {dimension_numbers = #tpu.dot_dimension_numbers<[1], [0], [0], [1], [0, 0, 1, 1], [], []>, transpose_lhs_hint = false} : vector<1024x128xbf16>, vector<128x128xbf16>, vector<1024x128xf32> -> vector<1024x128xf32>
    %get3A_120 = arith.constant 1 : index
    %get3A_121 = arith.constant 0 : index
    %get3A_122 = vector.load %arg10[%get3A_120, %get3A_121] : memref<2x128xf32, #tpu.memory_space<vmem>>, vector<1x128xf32>
    %add3A_123 = vector.broadcast %get3A_122 : vector<1x128xf32> to vector<1024x128xf32>
    %add3A_124 = arith.addf %dot_general3A_119, %add3A_123 : vector<1024x128xf32>
    %mul3A_125 = arith.mulf %bitcast_convert_type3A_9, %add3A_113 : vector<1024x128xf32>
    %get3A_126 = arith.constant 0 : index
    %get3A_127 = arith.constant 0 : index
    %get3A_128 = vector.load %arg11[%get3A_126, %get3A_127] : memref<128x128xf32, #tpu.memory_space<vmem>>, vector<128x128xf32>
    %dot_general3A_129 = arith.constant dense<0.000000e+00> : vector<1024x128xf32>
    %dot_general3A_130 = tpu.matmul %mul3A_125, %get3A_128, %dot_general3A_129 {dimension_numbers = #tpu.dot_dimension_numbers<[1], [0], [0], [1], [0, 0, 1, 1], [], []>, transpose_lhs_hint = false} : vector<1024x128xf32>, vector<128x128xf32>, vector<1024x128xf32> -> vector<1024x128xf32>
    %mul3A_131 = arith.constant 0.176776692 : f32
    %mul3A_132 = vector.broadcast %mul3A_131 : f32 to vector<1024x128xf32>
    %mul3A_133 = arith.mulf %dot_general3A_130, %mul3A_132 : vector<1024x128xf32>
    %exp3A = math.exp %mul3A_133 : vector<1024x128xf32>
    %mul3A_134 = arith.mulf %exp3A, %add3A_124 : vector<1024x128xf32>
    %slice3A_135 = vector.extract_strided_slice %mul3A_134 {offsets = [0, 0], sizes = [1024, 64], strides = [1, 1]} : vector<1024x128xf32> to vector<1024x64xf32>
    %swap3A = arith.constant 0 : index
    %swap3A_136 = arith.constant 0 : index
    %swap3A_137 = arith.constant 0 : index
    %swap3A_138 = vector.load %arg14[%swap3A, %swap3A_136, %swap3A_137] : memref<2x1024x128xf32, #tpu.memory_space<vmem>>, vector<1x1024x64xf32>
    %swap3A_139 = vector.shape_cast %swap3A_138 : vector<1x1024x64xf32> to vector<1024x64xf32>
    %swap3A_140 = vector.shape_cast %slice3A_135 : vector<1024x64xf32> to vector<1x1024x64xf32>
    tpu.vector_store %arg14[%swap3A, %swap3A_136, %swap3A_137], %swap3A_140 {strides = array<i32>} : memref<2x1024x128xf32, #tpu.memory_space<vmem>>, vector<1x1024x64xf32>,
    %get3A_141 = arith.constant 0 : index
    %get3A_142 = arith.constant 0 : index
    %get3A_143 = vector.load %arg12[%get3A_141, %get3A_142] : memref<128x64xf32, #tpu.memory_space<vmem>>, vector<128x64xf32>
    %dot_general3A_144 = arith.constant dense<0.000000e+00> : vector<1024x64xf32>
    %dot_general3A_145 = tpu.matmul %exp3A, %get3A_143, %dot_general3A_144 {dimension_numbers = #tpu.dot_dimension_numbers<[1], [0], [0], [1], [0, 0, 1, 1], [], []>, transpose_lhs_hint = false} : vector<1024x128xf32>, vector<128x64xf32>, vector<1024x64xf32> -> vector<1024x64xf32>
    %swap3A_146 = arith.constant 0 : index
    %swap3A_147 = arith.constant 0 : index
    %swap3A_148 = arith.constant 64 : index
    %swap3A_149 = vector.load %arg14[%swap3A_146, %swap3A_147, %swap3A_148] : memref<2x1024x128xf32, #tpu.memory_space<vmem>>, vector<1x1024x64xf32>
    %swap3A_150 = vector.shape_cast %swap3A_149 : vector<1x1024x64xf32> to vector<1024x64xf32>
    %swap3A_151 = vector.shape_cast %dot_general3A_145 : vector<1024x64xf32> to vector<1x1024x64xf32>
    tpu.vector_store %arg14[%swap3A_146, %swap3A_147, %swap3A_148], %swap3A_151 {strides = array<i32>} : memref<2x1024x128xf32, #tpu.memory_space<vmem>>, vector<1x1024x64xf32>,
    %slice3A_152 = vector.extract_strided_slice %mul3A_134 {offsets = [0, 64], sizes = [1024, 64], strides = [1, 1]} : vector<1024x128xf32> to vector<1024x64xf32>
    %swap3A_153 = arith.constant 1 : index
    %swap3A_154 = arith.constant 0 : index
    %swap3A_155 = arith.constant 0 : index
    %swap3A_156 = vector.load %arg14[%swap3A_153, %swap3A_154, %swap3A_155] : memref<2x1024x128xf32, #tpu.memory_space<vmem>>, vector<1x1024x64xf32>
    %swap3A_157 = vector.shape_cast %swap3A_156 : vector<1x1024x64xf32> to vector<1024x64xf32>
    %swap3A_158 = vector.shape_cast %slice3A_152 : vector<1024x64xf32> to vector<1x1024x64xf32>
    tpu.vector_store %arg14[%swap3A_153, %swap3A_154, %swap3A_155], %swap3A_158 {strides = array<i32>} : memref<2x1024x128xf32, #tpu.memory_space<vmem>>, vector<1x1024x64xf32>,
    %get3A_159 = arith.constant 0 : index
    %get3A_160 = arith.constant 0 : index
    %get3A_161 = vector.load %arg13[%get3A_159, %get3A_160] : memref<128x64xf32, #tpu.memory_space<vmem>>, vector<128x64xf32>
    %dot_general3A_162 = arith.constant dense<0.000000e+00> : vector<1024x64xf32>
    %dot_general3A_163 = tpu.matmul %exp3A, %get3A_161, %dot_general3A_162 {dimension_numbers = #tpu.dot_dimension_numbers<[1], [0], [0], [1], [0, 0, 1, 1], [], []>, transpose_lhs_hint = false} : vector<1024x128xf32>, vector<128x64xf32>, vector<1024x64xf32> -> vector<1024x64xf32>
    %swap3A_164 = arith.constant 1 : index
    %swap3A_165 = arith.constant 0 : index
    %swap3A_166 = arith.constant 64 : index
    %swap3A_167 = vector.load %arg14[%swap3A_164, %swap3A_165, %swap3A_166] : memref<2x1024x128xf32, #tpu.memory_space<vmem>>, vector<1x1024x64xf32>
    %swap3A_168 = vector.shape_cast %swap3A_167 : vector<1x1024x64xf32> to vector<1024x64xf32>
    %swap3A_169 = vector.shape_cast %dot_general3A_163 : vector<1024x64xf32> to vector<1x1024x64xf32>
    tpu.vector_store %arg14[%swap3A_164, %swap3A_165, %swap3A_166], %swap3A_169 {strides = array<i32>} : memref<2x1024x128xf32, #tpu.memory_space<vmem>>, vector<1x1024x64xf32>,
    return
  }
  func.func @transform_0(%arg0: i32) -> (i32, i32) {
    %c0_i32 = arith.constant 0 : i32
    %c0_i32_0 = arith.constant 0 : i32
    return %arg0, %c0_i32 : i32, i32
  }
  func.func @transform_1(%arg0: i32) -> (i32, i32) {
    %c0_i32 = arith.constant 0 : i32
    %c0_i32_0 = arith.constant 0 : i32
    return %arg0, %c0_i32 : i32, i32
  }
  func.func @transform_2(%arg0: i32) -> (i32, i32) {
    %c0_i32 = arith.constant 0 : i32
    %c0_i32_0 = arith.constant 0 : i32
    return %arg0, %c0_i32 : i32, i32
  }
  func.func @transform_3(%arg0: i32) -> (i32, i32) {
    %c0_i32 = arith.constant 0 : i32
    %c0_i32_0 = arith.constant 0 : i32
    %c0_i32_1 = arith.constant 0 : i32
    return %c0_i32, %c0_i32_0 : i32, i32
  }
  func.func @transform_4(%arg0: i32) -> (i32, i32) {
    %c0_i32 = arith.constant 0 : i32
    %c0_i32_0 = arith.constant 0 : i32
    %c0_i32_1 = arith.constant 0 : i32
    return %c0_i32, %c0_i32_0 : i32, i32
  }
  func.func @transform_5(%arg0: i32) -> (i32, i32) {
    %c0_i32 = arith.constant 0 : i32
    %c0_i32_0 = arith.constant 0 : i32
    %c0_i32_1 = arith.constant 0 : i32
    return %c0_i32, %c0_i32_0 : i32, i32
  }
  func.func @transform_6(%arg0: i32) -> (i32, i32) {
    %c0_i32 = arith.constant 0 : i32
    %c0_i32_0 = arith.constant 0 : i32
    %c0_i32_1 = arith.constant 0 : i32
    return %c0_i32, %c0_i32_0 : i32, i32
  }
  func.func @transform_7(%arg0: i32) -> (i32, i32) {
    %c0_i32 = arith.constant 0 : i32
    %c0_i32_0 = arith.constant 0 : i32
    %c0_i32_1 = arith.constant 0 : i32
    return %c0_i32, %c0_i32_0 : i32, i32
  }
  func.func @transform_8(%arg0: i32) -> (i32, i32) {
    %c0_i32 = arith.constant 0 : i32
    %c0_i32_0 = arith.constant 0 : i32
    %c0_i32_1 = arith.constant 0 : i32
    return %c0_i32, %c0_i32_0 : i32, i32
  }
  func.func @transform_9(%arg0: i32) -> (i32, i32) {
    %c0_i32 = arith.constant 0 : i32
    %c0_i32_0 = arith.constant 0 : i32
    %c0_i32_1 = arith.constant 0 : i32
    return %c0_i32, %c0_i32_0 : i32, i32
  }
  func.func @transform_10(%arg0: i32) -> (i32, i32) {
    %c0_i32 = arith.constant 0 : i32
    %c0_i32_0 = arith.constant 0 : i32
    %c0_i32_1 = arith.constant 0 : i32
    return %c0_i32, %c0_i32_0 : i32, i32
  }
  func.func @transform_11(%arg0: i32) -> (i32, i32) {
    %c0_i32 = arith.constant 0 : i32
    %c0_i32_0 = arith.constant 0 : i32
    %c0_i32_1 = arith.constant 0 : i32
    return %c0_i32, %c0_i32_0 : i32, i32
  }
  func.func @transform_12(%arg0: i32) -> (i32, i32) {
    %c0_i32 = arith.constant 0 : i32
    %c0_i32_0 = arith.constant 0 : i32
    %c0_i32_1 = arith.constant 0 : i32
    return %c0_i32, %c0_i32_0 : i32, i32
  }
  func.func @transform_13(%arg0: i32) -> (i32, i32, i32) {
    %c0_i32 = arith.constant 0 : i32
    %c0_i32_0 = arith.constant 0 : i32
    %c0_i32_1 = arith.constant 0 : i32
    return %c0_i32, %arg0, %c0_i32_0 : i32, i32, i32
  }
}

module attributes {stable_mosaic.version = 14 : i64} {
  func.func @_final_body(%arg0: i32, %arg1: memref<1x1000x128xf32, #tpu.memory_space<vmem>>, %arg2: memref<1x1000x128xf32, #tpu.memory_space<vmem>>, %arg3: memref<1000x128xf32, #tpu.memory_space<vmem>>, %arg4: memref<128x128xf32, #tpu.memory_space<vmem>>, %arg5: memref<128x128xf32, #tpu.memory_space<vmem>>, %arg6: memref<128x128xf32, #tpu.memory_space<vmem>>, %arg7: memref<128x128xf32, #tpu.memory_space<vmem>>, %arg8: memref<128x128xf32, #tpu.memory_space<vmem>>, %arg9: memref<128x128xf32, #tpu.memory_space<vmem>>, %arg10: memref<3x128xf32, #tpu.memory_space<vmem>>, %arg11: memref<128x128xf32, #tpu.memory_space<vmem>>, %arg12: memref<1x128xf32, #tpu.memory_space<vmem>>, %arg13: memref<1000x128xf32, #tpu.memory_space<vmem>>) attributes {dimension_semantics = [#tpu.dimension_semantics<arbitrary>], iteration_bounds = array<i64: 10>, scalar_prefetch = 0 : i64, scratch_operands = 0 : i64, tpu.core_type = #tpu.core_type<tc>, window_params = [{transform_indices = @transform_0, window_bounds = array<i64: 1, 1000, 128>}, {transform_indices = @transform_1, window_bounds = array<i64: 1, 1000, 128>}, {transform_indices = @transform_2, window_bounds = array<i64: 1000, 128>}, {pipeline_mode = #tpu.pipeline_mode<synchronous>, transform_indices = @transform_3, window_bounds = array<i64: 128, 128>}, {pipeline_mode = #tpu.pipeline_mode<synchronous>, transform_indices = @transform_4, window_bounds = array<i64: 128, 128>}, {pipeline_mode = #tpu.pipeline_mode<synchronous>, transform_indices = @transform_5, window_bounds = array<i64: 128, 128>}, {pipeline_mode = #tpu.pipeline_mode<synchronous>, transform_indices = @transform_6, window_bounds = array<i64: 128, 128>}, {pipeline_mode = #tpu.pipeline_mode<synchronous>, transform_indices = @transform_7, window_bounds = array<i64: 128, 128>}, {pipeline_mode = #tpu.pipeline_mode<synchronous>, transform_indices = @transform_8, window_bounds = array<i64: 128, 128>}, {pipeline_mode = #tpu.pipeline_mode<synchronous>, transform_indices = @transform_9, window_bounds = array<i64: 3, 128>}, {pipeline_mode = #tpu.pipeline_mode<synchronous>, transform_indices = @transform_10, window_bounds = array<i64: 128, 128>}, {pipeline_mode = #tpu.pipeline_mode<synchronous>, transform_indices = @transform_11, window_bounds = array<i64: 1, 128>}, {transform_indices = @transform_12, window_bounds = array<i64: 1000, 128>}]} {
    %get3A = arith.constant 0 : index
    %get3A_0 = arith.constant 0 : index
    %get3A_1 = arith.constant 0 : index
    %get3A_2 = vector.load %arg1[%get3A, %get3A_0, %get3A_1] : memref<1x1000x128xf32, #tpu.memory_space<vmem>>, vector<1x1000x128xf32>
    %get3A_3 = vector.shape_cast %get3A_2 : vector<1x1000x128xf32> to vector<1000x128xf32>
    %get3A_4 = arith.constant 0 : index
    %get3A_5 = arith.constant 0 : index
    %get3A_6 = arith.constant 0 : index
    %get3A_7 = vector.load %arg2[%get3A_4, %get3A_5, %get3A_6] : memref<1x1000x128xf32, #tpu.memory_space<vmem>>, vector<1x1000x128xf32>
    %get3A_8 = vector.shape_cast %get3A_7 : vector<1x1000x128xf32> to vector<1000x128xf32>
    %get3A_9 = arith.constant 0 : index
    %get3A_10 = arith.constant 0 : index
    %get3A_11 = vector.load %arg4[%get3A_9, %get3A_10] : memref<128x128xf32, #tpu.memory_space<vmem>>, vector<128x128xf32>
    %dot_general3A = arith.constant dense<0.000000e+00> : vector<1000x128xf32>
    %dot_general3A_12 = tpu.matmul %get3A_3, %get3A_11, %dot_general3A {dimension_numbers = #tpu.dot_dimension_numbers<[1], [0], [0], [1], [0, 0, 1, 1], [], []>, transpose_lhs_hint = false} : vector<1000x128xf32>, vector<128x128xf32>, vector<1000x128xf32> -> vector<1000x128xf32>
    %get3A_13 = arith.constant 0 : index
    %get3A_14 = arith.constant 0 : index
    %get3A_15 = vector.load %arg5[%get3A_13, %get3A_14] : memref<128x128xf32, #tpu.memory_space<vmem>>, vector<128x128xf32>
    %dot_general3A_16 = arith.constant dense<0.000000e+00> : vector<1000x128xf32>
    %dot_general3A_17 = tpu.matmul %get3A_8, %get3A_15, %dot_general3A_16 {dimension_numbers = #tpu.dot_dimension_numbers<[1], [0], [0], [1], [0, 0, 1, 1], [], []>, transpose_lhs_hint = false} : vector<1000x128xf32>, vector<128x128xf32>, vector<1000x128xf32> -> vector<1000x128xf32>
    %add3A = arith.addf %dot_general3A_12, %dot_general3A_17 : vector<1000x128xf32>
    %add3A_18 = arith.constant 1.000000e-16 : f32
    %add3A_19 = vector.broadcast %add3A_18 : f32 to vector<1000x128xf32>
    %add3A_20 = arith.addf %add3A, %add3A_19 : vector<1000x128xf32>
    %get3A_21 = arith.constant 0 : index
    %get3A_22 = arith.constant 0 : index
    %get3A_23 = vector.load %arg6[%get3A_21, %get3A_22] : memref<128x128xf32, #tpu.memory_space<vmem>>, vector<128x128xf32>
    %dot_general3A_24 = arith.constant dense<0.000000e+00> : vector<1000x128xf32>
    %dot_general3A_25 = tpu.matmul %get3A_3, %get3A_23, %dot_general3A_24 {dimension_numbers = #tpu.dot_dimension_numbers<[1], [0], [0], [1], [0, 0, 1, 1], [], []>, transpose_lhs_hint = false} : vector<1000x128xf32>, vector<128x128xf32>, vector<1000x128xf32> -> vector<1000x128xf32>
    %get3A_26 = arith.constant 0 : index
    %get3A_27 = arith.constant 0 : index
    %get3A_28 = vector.load %arg7[%get3A_26, %get3A_27] : memref<128x128xf32, #tpu.memory_space<vmem>>, vector<128x128xf32>
    %dot_general3A_29 = arith.constant dense<0.000000e+00> : vector<1000x128xf32>
    %dot_general3A_30 = tpu.matmul %get3A_8, %get3A_28, %dot_general3A_29 {dimension_numbers = #tpu.dot_dimension_numbers<[1], [0], [0], [1], [0, 0, 1, 1], [], []>, transpose_lhs_hint = false} : vector<1000x128xf32>, vector<128x128xf32>, vector<1000x128xf32> -> vector<1000x128xf32>
    %add3A_31 = arith.addf %dot_general3A_25, %dot_general3A_30 : vector<1000x128xf32>
    %div3A = arith.divf %add3A_31, %add3A_20 : vector<1000x128xf32>
    %get3A_32 = arith.constant 0 : index
    %get3A_33 = arith.constant 0 : index
    %get3A_34 = vector.load %arg8[%get3A_32, %get3A_33] : memref<128x128xf32, #tpu.memory_space<vmem>>, vector<128x128xf32>
    %dot_general3A_35 = arith.constant dense<0.000000e+00> : vector<1000x128xf32>
    %dot_general3A_36 = tpu.matmul %div3A, %get3A_34, %dot_general3A_35 {dimension_numbers = #tpu.dot_dimension_numbers<[1], [0], [0], [1], [0, 0, 1, 1], [], []>, transpose_lhs_hint = false} : vector<1000x128xf32>, vector<128x128xf32>, vector<1000x128xf32> -> vector<1000x128xf32>
    %get3A_37 = arith.constant 0 : index
    %get3A_38 = arith.constant 0 : index
    %get3A_39 = vector.load %arg3[%get3A_37, %get3A_38] : memref<1000x128xf32, #tpu.memory_space<vmem>>, vector<1000x128xf32>
    %get3A_40 = arith.constant 0 : index
    %get3A_41 = arith.constant 0 : index
    %get3A_42 = vector.load %arg9[%get3A_40, %get3A_41] : memref<128x128xf32, #tpu.memory_space<vmem>>, vector<128x128xf32>
    %dot_general3A_43 = arith.constant dense<0.000000e+00> : vector<1000x128xf32>
    %dot_general3A_44 = tpu.matmul %get3A_39, %get3A_42, %dot_general3A_43 {dimension_numbers = #tpu.dot_dimension_numbers<[1], [0], [0], [1], [0, 0, 1, 1], [], []>, transpose_lhs_hint = false} : vector<1000x128xf32>, vector<128x128xf32>, vector<1000x128xf32> -> vector<1000x128xf32>
    %add3A_45 = arith.addf %dot_general3A_36, %dot_general3A_44 : vector<1000x128xf32>
    %get3A_46 = arith.constant 0 : index
    %get3A_47 = arith.constant 0 : index
    %get3A_48 = vector.load %arg10[%get3A_46, %get3A_47] : memref<3x128xf32, #tpu.memory_space<vmem>>, vector<1x128xf32>
    %add3A_49 = vector.broadcast %get3A_48 : vector<1x128xf32> to vector<1000x128xf32>
    %add3A_50 = arith.addf %add3A_45, %add3A_49 : vector<1000x128xf32>
    %get3A_51 = arith.constant 1 : index
    %get3A_52 = arith.constant 0 : index
    %get3A_53 = vector.load %arg10[%get3A_51, %get3A_52] : memref<3x128xf32, #tpu.memory_space<vmem>>, vector<1x128xf32>
    %get3A_54 = arith.constant 2 : index
    %get3A_55 = arith.constant 0 : index
    %get3A_56 = vector.load %arg10[%get3A_54, %get3A_55] : memref<3x128xf32, #tpu.memory_space<vmem>>, vector<1x128xf32>
    %reduce_sum3A = arith.constant dense<0.000000e+00> : vector<1000xf32>
    %reduce_sum3A_57 = vector.multi_reduction <add>, %add3A_50, %reduce_sum3A [1] : vector<1000x128xf32> to vector<1000xf32>
    %broadcast_in_dim3A = vector.shape_cast %reduce_sum3A_57 : vector<1000xf32> to vector<1000x1xf32>
    %div3A_58 = arith.constant 1.280000e+02 : f32
    %div3A_59 = vector.broadcast %div3A_58 : f32 to vector<1000x1xf32>
    %div3A_60 = arith.divf %broadcast_in_dim3A, %div3A_59 : vector<1000x1xf32>
    %sub3A = vector.broadcast %div3A_60 : vector<1000x1xf32> to vector<1000x128xf32>
    %sub3A_61 = arith.subf %add3A_50, %sub3A : vector<1000x128xf32>
    %integer_pow3A = arith.mulf %sub3A_61, %sub3A_61 : vector<1000x128xf32>
    %reduce_sum3A_62 = arith.constant dense<0.000000e+00> : vector<1000xf32>
    %reduce_sum3A_63 = vector.multi_reduction <add>, %integer_pow3A, %reduce_sum3A_62 [1] : vector<1000x128xf32> to vector<1000xf32>
    %broadcast_in_dim3A_64 = vector.shape_cast %reduce_sum3A_63 : vector<1000xf32> to vector<1000x1xf32>
    %div3A_65 = arith.constant 1.280000e+02 : f32
    %div3A_66 = vector.broadcast %div3A_65 : f32 to vector<1000x1xf32>
    %div3A_67 = arith.divf %broadcast_in_dim3A_64, %div3A_66 : vector<1000x1xf32>
    %sub3A_68 = vector.broadcast %div3A_60 : vector<1000x1xf32> to vector<1000x128xf32>
    %sub3A_69 = arith.subf %add3A_50, %sub3A_68 : vector<1000x128xf32>
    %add3A_70 = arith.constant 9.99999974E-6 : f32
    %add3A_71 = vector.broadcast %add3A_70 : f32 to vector<1000x1xf32>
    %add3A_72 = arith.addf %div3A_67, %add3A_71 : vector<1000x1xf32>
    %sqrt3A = math.sqrt %add3A_72 : vector<1000x1xf32>
    %div3A_73 = vector.broadcast %sqrt3A : vector<1000x1xf32> to vector<1000x128xf32>
    %div3A_74 = arith.divf %sub3A_69, %div3A_73 : vector<1000x128xf32>
    %mul3A = vector.broadcast %get3A_53 : vector<1x128xf32> to vector<1000x128xf32>
    %mul3A_75 = arith.mulf %div3A_74, %mul3A : vector<1000x128xf32>
    %add3A_76 = vector.broadcast %get3A_56 : vector<1x128xf32> to vector<1000x128xf32>
    %add3A_77 = arith.addf %mul3A_75, %add3A_76 : vector<1000x128xf32>
    %max3A = arith.constant 0.000000e+00 : f32
    %max3A_78 = vector.broadcast %max3A : f32 to vector<1000x128xf32>
    %max3A_79 = arith.maximumf %add3A_77, %max3A_78 : vector<1000x128xf32>
    %get3A_80 = arith.constant 0 : index
    %get3A_81 = arith.constant 0 : index
    %get3A_82 = vector.load %arg11[%get3A_80, %get3A_81] : memref<128x128xf32, #tpu.memory_space<vmem>>, vector<128x128xf32>
    %dot_general3A_83 = arith.constant dense<0.000000e+00> : vector<1000x128xf32>
    %dot_general3A_84 = tpu.matmul %max3A_79, %get3A_82, %dot_general3A_83 {dimension_numbers = #tpu.dot_dimension_numbers<[1], [0], [0], [1], [0, 0, 1, 1], [], []>, transpose_lhs_hint = false} : vector<1000x128xf32>, vector<128x128xf32>, vector<1000x128xf32> -> vector<1000x128xf32>
    %get3A_85 = arith.constant 0 : index
    %get3A_86 = arith.constant 0 : index
    %get3A_87 = vector.load %arg12[%get3A_85, %get3A_86] : memref<1x128xf32, #tpu.memory_space<vmem>>, vector<1x128xf32>
    %add3A_88 = vector.broadcast %get3A_87 : vector<1x128xf32> to vector<1000x128xf32>
    %add3A_89 = arith.addf %dot_general3A_84, %add3A_88 : vector<1000x128xf32>
    %swap3A = arith.constant 0 : index
    %swap3A_90 = arith.constant 0 : index
    %swap3A_91 = vector.load %arg13[%swap3A, %swap3A_90] : memref<1000x128xf32, #tpu.memory_space<vmem>>, vector<1000x128xf32>
    tpu.vector_store %arg13[%swap3A, %swap3A_90], %add3A_89 {strides = array<i32>} : memref<1000x128xf32, #tpu.memory_space<vmem>>, vector<1000x128xf32>,
    return
  }
  func.func @transform_0(%arg0: i32) -> (i32, i32, i32) {
    %c0_i32 = arith.constant 0 : i32
    %c0_i32_0 = arith.constant 0 : i32
    %c0_i32_1 = arith.constant 0 : i32
    return %c0_i32, %arg0, %c0_i32_0 : i32, i32, i32
  }
  func.func @transform_1(%arg0: i32) -> (i32, i32, i32) {
    %c1_i32 = arith.constant 1 : i32
    %c0_i32 = arith.constant 0 : i32
    %c0_i32_0 = arith.constant 0 : i32
    return %c1_i32, %arg0, %c0_i32 : i32, i32, i32
  }
  func.func @transform_2(%arg0: i32) -> (i32, i32) {
    %c0_i32 = arith.constant 0 : i32
    %c0_i32_0 = arith.constant 0 : i32
    return %arg0, %c0_i32 : i32, i32
  }
  func.func @transform_3(%arg0: i32) -> (i32, i32) {
    %c0_i32 = arith.constant 0 : i32
    %c0_i32_0 = arith.constant 0 : i32
    %c0_i32_1 = arith.constant 0 : i32
    return %c0_i32, %c0_i32_0 : i32, i32
  }
  func.func @transform_4(%arg0: i32) -> (i32, i32) {
    %c0_i32 = arith.constant 0 : i32
    %c0_i32_0 = arith.constant 0 : i32
    %c0_i32_1 = arith.constant 0 : i32
    return %c0_i32, %c0_i32_0 : i32, i32
  }
  func.func @transform_5(%arg0: i32) -> (i32, i32) {
    %c0_i32 = arith.constant 0 : i32
    %c0_i32_0 = arith.constant 0 : i32
    %c0_i32_1 = arith.constant 0 : i32
    return %c0_i32, %c0_i32_0 : i32, i32
  }
  func.func @transform_6(%arg0: i32) -> (i32, i32) {
    %c0_i32 = arith.constant 0 : i32
    %c0_i32_0 = arith.constant 0 : i32
    %c0_i32_1 = arith.constant 0 : i32
    return %c0_i32, %c0_i32_0 : i32, i32
  }
  func.func @transform_7(%arg0: i32) -> (i32, i32) {
    %c0_i32 = arith.constant 0 : i32
    %c0_i32_0 = arith.constant 0 : i32
    %c0_i32_1 = arith.constant 0 : i32
    return %c0_i32, %c0_i32_0 : i32, i32
  }
  func.func @transform_8(%arg0: i32) -> (i32, i32) {
    %c0_i32 = arith.constant 0 : i32
    %c0_i32_0 = arith.constant 0 : i32
    %c0_i32_1 = arith.constant 0 : i32
    return %c0_i32, %c0_i32_0 : i32, i32
  }
  func.func @transform_9(%arg0: i32) -> (i32, i32) {
    %c0_i32 = arith.constant 0 : i32
    %c0_i32_0 = arith.constant 0 : i32
    %c0_i32_1 = arith.constant 0 : i32
    return %c0_i32, %c0_i32_0 : i32, i32
  }
  func.func @transform_10(%arg0: i32) -> (i32, i32) {
    %c0_i32 = arith.constant 0 : i32
    %c0_i32_0 = arith.constant 0 : i32
    %c0_i32_1 = arith.constant 0 : i32
    return %c0_i32, %c0_i32_0 : i32, i32
  }
  func.func @transform_11(%arg0: i32) -> (i32, i32) {
    %c0_i32 = arith.constant 0 : i32
    %c0_i32_0 = arith.constant 0 : i32
    %c0_i32_1 = arith.constant 0 : i32
    return %c0_i32, %c0_i32_0 : i32, i32
  }
  func.func @transform_12(%arg0: i32) -> (i32, i32) {
    %c0_i32 = arith.constant 0 : i32
    %c0_i32_0 = arith.constant 0 : i32
    return %arg0, %c0_i32 : i32, i32
  }
}

</mosaic_0001>

<sc_bundles>
// kernel: kernel.10.cloned.1.call-start
scs
__scs_entry_jumppad:
0x0: {  	(pc) =	sbr.rel $0x88, $3  }
0x1: {  	(tag) =	ssettag $0x0;
	lr =	simm.s32 $0x1  }
0x2: {  	[smem:$0x3F86] =	sst lr;
	_ =	strace $0xD0000000  }
0x3: {  	_ = 	snop  }
0x4: {  	_ = 	snop  }
0x5: {  	_ = 	snop  }
0x6: {  	_ = 	snop  }
0x7: {  	_ = 	snop  }
__scs_overlays_trampoline_lowered:
0x8: {  	[smem:$0x3F95] =	sst s0  }
0x9: {  	[smem:$0x3F96] =	sst s1  }
0xa: {  	[smem:$0x3F97] =	sst s2  }
0xb: {  	[smem:$0x3F98] =	sst s3  }
0xc: {  	[smem:$0x3F99] =	sst s4  }
0xd: {  	[smem:$0x3F9A] =	sst s5  }
0xe: {  	[smem:$0x3F9B] =	sst s6  }
0xf: {  	[smem:$0x3F9C] =	sst s7  }
0x10: {  	[smem:$0x3F9D] =	sst s8  }
0x11: {  	[smem:$0x3F9E] =	sst s9;
	s0 =	simm.s32 @!p0 $0x0  }
0x12: {  	s1 =	sld [smem:$0x3F84];
	s0 =	simm.s32 @p0 $0x1  }
0x13: {  	[smem:$0x3F9F] =	sst s0;
	s0 =	simm.s32 @!p1 $0x0  }
0x14: {  	s2 =	sld [smem:$0x3F83];
	s0 =	simm.s32 @p1 $0x1  }
0x15: {  	[smem:$0x3FA0] =	sst s0;
	s0 =	simm.s32 @!p2 $0x0  }
0x16: {  	s3 =	sld [smem:$0x3FDB];
	s0 =	simm.s32 @p2 $0x1  }
0x17: {  	s4 =	simm.s32 $0x1BF5;
	[smem:$0x3FA2] =	sst s0  }
0x18: {  	s0 =	sld [smem:$0x3F85];
	_ =	swait.ge [sflag:s4], $0x0  }
0x19: {  	s7 =	sld [smem:$0x3F86]  }
0x1a: {  	s8 =	sadd.s32 $0xFFFFE003, lr  }
0x1b: {  	s9 =	sadd.s32 $0xFFFFFEF7, lr;
	s5 =	simm.s32 $0xFFFFFFFF;
	p2 =	slt.u32 s8, $0xFFFFF086  }
0x1c: {  	p1 =	slt.u32 s9, $0xF7A;
	s5 =	simm.s32 @!p2 $0x0  }
0x1d: {  	s5 =	simm.s32 @p1 $0x1;
	p0 =	seq.s32 s7, s2  }
0x1e: {  	s7 =	smul.u32 @!p0 $0xF7A, s2;
	p2 =	seq.s32 @!p0 s5, $0x0  }
0x1f: {  	s9 =	smul.u32 $0xF7A, s1;
	s8 =	simm.s32 @!p0 $0x1BF5;
	p2 =	por !p2, p0  }
0x20: {  	[sflag:s8] =	ssyncset.s32 @!p0 $0xFFFFF086;
	s6 =	sadd.s32 @!p0 s3, s7;
	s7 =	simm.s32 @!p0 $0x108  }
0x21: {  	s3 =	sadd.s32 s3, s9;
	s6 =	sadd.s32 @!p0 $0x88, s6;
	s7 =	simm.s32 @p2 $0x1082  }
0x22: {  	[simem:s7], [sflag:s8] =	dma.local @!p0 [hbm:s6], $0xF7A  }
0x23: {  	s9 =	sor.u32 $0xD0000000, s2;
	s6 =	simm.s32 $0x108;
	_ =	swait.ge @!p0 [sflag:s8], $0x0  }
0x24: {  	s3 =	sadd.s32 $0x88, s3;
	s6 =	simm.s32 @!p1 $0x1082;
	[sflag:s4] =	ssyncset.s32 $0xFFFFF086  }
0x25: {  	[simem:s6], [sflag:s4] =	dma.local [hbm:s3], $0xF7A  }
0x26: {  	[smem:$0x3F86] =	sst s1;
	(tag) =	ssettag s2;
	_ =	strace s9  }
0x27: {  	s1 =	sld [smem:$0x3F96]  }
0x28: {  	s2 =	sld [smem:$0x3F97]  }
0x29: {  	s4 =	sld [smem:$0x3F99]  }
0x2a: {  	p0 =	seq.s32 s5, $0x0;
	s5 =	sld [smem:$0x3F9A]  }
0x2b: {  	s6 =	sld [smem:$0x3F9B]  }
0x2c: {  	s7 =	sld [smem:$0x3F9C]  }
0x2d: {  	s3 =	simm.s32 $0x108;
	s8 =	sld [smem:$0x3F9D]  }
0x2e: {  	s3 =	simm.s32 @!p0 $0x1082;
	s9 =	sld [smem:$0x3F9E]  }
0x2f: {  	lr =	sadd.s32 s0, s3;
	s0 =	sld [smem:$0x3F95]  }
0x30: {  	s3 =	sld [smem:$0x3F98]  }
0x31: {  	[smem:$0x3FA1] =	sst s10  }
0x32: {  	s10 =	sld [smem:$0x3F9F];
	_ =	sdelay $0x3  }
0x33: {  	p0 =	seq.s32 s10, $0x1;
	s10 =	sld [smem:$0x3FA1];
	_ =	sdelay $0x3  }
0x34: {  	[smem:$0x3FA1] =	sst s10  }
0x35: {  	s10 =	sld [smem:$0x3FA0];
	_ =	sdelay $0x3  }
0x36: {  	p1 =	seq.s32 s10, $0x1;
	s10 =	sld [smem:$0x3FA1];
	_ =	sdelay $0x3  }
0x37: {  	[smem:$0x3FA1] =	sst s10  }
0x38: {  	s10 =	sld [smem:$0x3FA2]  }
0x39: {  	_ = 	snop;
	(pc) =	sbr.ind lr, $3  }
0x3a: {  	_ = 	snop  }
0x3b: {  	_ = 	snop  }
0x3c: {  	p2 =	seq.s32 s10, $0x1;
	s10 =	sld [smem:$0x3FA1]  }
0x3d: {  	_ =	shalt  }
0x3e: {  	_ =	shalt  }
0x3f: {  	_ =	shalt  }
0x40: {  	_ =	shalt  }
0x41: {  	_ =	shalt  }
0x42: {  	_ =	shalt  }
0x43: {  	_ =	shalt  }
0x44: {  	_ =	shalt  }
0x45: {  	_ =	shalt  }
0x46: {  	_ =	shalt  }
0x47: {  	_ =	shalt  }
0x48: {  	_ =	shalt  }
0x49: {  	_ =	shalt  }
0x4a: {  	_ =	shalt  }
0x4b: {  	_ =	shalt  }
0x4c: {  	_ =	shalt  }
0x4d: {  	_ =	shalt  }
0x4e: {  	_ =	shalt  }
0x4f: {  	_ =	shalt  }
0x50: {  	_ =	shalt  }
0x51: {  	_ =	shalt  }
0x52: {  	_ =	shalt  }
0x53: {  	_ =	shalt  }
0x54: {  	_ =	shalt  }
0x55: {  	_ =	shalt  }
0x56: {  	_ =	shalt  }
0x57: {  	_ =	shalt  }
0x58: {  	_ =	shalt  }
0x59: {  	_ =	shalt  }
0x5a: {  	_ =	shalt  }
0x5b: {  	_ =	shalt  }
0x5c: {  	_ =	shalt  }
0x5d: {  	_ =	shalt  }
0x5e: {  	_ =	shalt  }
0x5f: {  	_ =	shalt  }
0x60: {  	_ =	shalt  }
0x61: {  	_ =	shalt  }
0x62: {  	_ =	shalt  }
0x63: {  	_ =	shalt  }
0x64: {  	_ =	shalt  }
0x65: {  	_ =	shalt  }
0x66: {  	_ =	shalt  }
0x67: {  	_ =	shalt  }
0x68: {  	_ =	shalt  }
0x69: {  	_ =	shalt  }
0x6a: {  	_ =	shalt  }
0x6b: {  	_ =	shalt  }
0x6c: {  	_ =	shalt  }
0x6d: {  	_ =	shalt  }
0x6e: {  	_ =	shalt  }
0x6f: {  	_ =	shalt  }
0x70: {  	_ =	shalt  }
0x71: {  	_ =	shalt  }
0x72: {  	_ =	shalt  }
0x73: {  	_ =	shalt  }
0x74: {  	_ =	shalt  }
0x75: {  	_ =	shalt  }
0x76: {  	_ =	shalt  }
0x77: {  	_ =	shalt  }
0x78: {  	_ =	shalt  }
0x79: {  	_ =	shalt  }
0x7a: {  	_ =	shalt  }
0x7b: {  	_ =	shalt  }
0x7c: {  	_ =	shalt  }
0x7d: {  	_ =	shalt  }
0x7e: {  	_ =	shalt  }
0x7f: {  	_ =	shalt  }
0x80: {  	_ =	shalt  }
0x81: {  	_ =	shalt  }
0x82: {  	_ =	shalt  }
0x83: {  	_ =	shalt  }
0x84: {  	_ =	shalt  }
0x85: {  	_ =	shalt  }
0x86: {  	_ =	shalt  }
0x87: {  	_ =	shalt  }
.Lfunc_end0:
.L_simem_size_0:
called_computation.1_lowered:
.L_overlay_start_0:
0x88: {  	s2 =	sld [smem:$0x3FD9]  }
0x89: {  	s3 =	sld [smem:$0x3FFE];
	_ =	sdelay $0x1  }
0x8a: {  	s1 =	srdreg.scid  }
0x8b: {  	s0 =	sand.u32 $0x1, s1  }
0x8c: {  	s16 =	sshll.u32 s0, $0xA;
	s2 =	sadd.s32 s3, s2  }
0x8d: {  	s2 =	sadd.s32 s2, s16  }
0x8e: {  	[smem:$0x3FAD] =	sst s2  }
0x8f: {  	_ = 	snop  }
0x90: {  	(tm) =	ssettm $0x1  }
0x91: {  	s17 =	sld [smem:$0x3FFB];
	_ =	sdelay $0x3  }
0x92: {  	_ =	strace s17  }
0x93: {  	s2 =	sld [smem:$0x3FFC];
	_ =	sdelay $0x3  }
0x94: {  	_ =	strace s2  }
0x95: {  	s2 =	sld [smem:$0x3FFD];
	_ =	sdelay $0x3  }
0x96: {  	_ =	strace s2  }
0x97: {  	_ =	strace $0x8FFFFFFF  }
0x98: {  	s18 =	sld [smem:$0x3FDB];
	_ =	sdelay $0x1  }
0x99: {  	s19 =	simm.s32 $_scs_section_size  }
0x9a: {  	s4 =	simm.s32 $_size__tile_overlayer_lowered;
	s5 =	simm.s32 $_tile_overlayer_lowered  }
0x9b: {  	s22 =	simm.s32 $0x1BFF;
	s21 =	sshll.u32 s5, $0x1;
	s2 =	sadd.s32 s19, s18  }
0x9c: {  	s6 =	simm.s32 $0x0;
	s20 =	sshll.u32 s4, $0x1;
	s4 =	sadd.s32 s21, s2  }
0x9d: {  	[timem:s6], [sflag:s22] =	dma.local [hbm:s4], s20  }
0x9e: {  	_ =	swait.ge [sflag:s22], s20  }
0x9f: {  	s3 =	ssub.s32 $0x0, s20;
	[sflag:s22] =	ssyncset.done $0x0  }
0xa0: {  	[sflag:s22] =	ssyncadd.s32 s3;
	_ =	sdelay $0x1  }
0xa1: {  	s23 =	simm.s32 $0x1B8B  }
0xa2: {  	_ =	swait.ge [sflag:s23], $0x1  }
0xa3: {  	[sflag:s23] =	ssyncset.done $0x0  }
0xa4: {  	s25 =	simm.s32 $0x1B8E;
	s24 =	sld [smem:$0x3FFE];
	[sflag:s23] =	ssyncadd.s32 $0xFFFFFFFF  }
0xa5: {  	s26 =	simm.s32 $execute0_lowered;
	[smem:$0x3FD2] =	sst s25  }
0xa6: {  	s4 =	sshll.u32 s26, $0x1;
	_ =	strace $0x80000049;
	[dreg:$0x1] =	wrdreg $0xFFFFFFFF  }
0xa7: {  	s28 =	simm.s32 $_size_execute0_lowered;
	s2 =	sadd.s32 s2, s4;
	[dreg:$0x0] =	wrdreg $0x0  }
0xa8: {  	s4 =	sshll.u32 s28, $0x1;
	[dreg:$0x2] =	wrdreg s2  }
0xa9: {  	[dreg:$0x3] =	wrdreg s4  }
0xaa: {  	[dreg:$0x4] =	wrdreg $0xC0  }
0xab: {  	_ =	task [dreg:s6], $0x5FFFF  }
0xac: {  	[dreg:$0x1] =	wrdreg $0xFFFFFFFF  }
0xad: {  	[dreg:$0x0] =	wrdreg $0x60  }
0xae: {  	[dreg:$0x2] =	wrdreg s24  }
0xaf: {  	[dreg:$0x3] =	wrdreg $0x28800  }
0xb0: {  	[dreg:$0x4] =	wrdreg $0x9  }
0xb1: {  	_ =	task.clear_ibuf [dreg:s6], $0x5FFFF;
	_ =	strace $0x90000049  }
0xb2: {  	s29 =	simm.s32 $0x9;
	_ =	strace $0x8000004B  }
0xb3: {  	_ =	swait.ge [sflag:s29], $0x1  }
0xb4: {  	[sflag:s29] =	ssyncadd.s32 $0xFFFFFFFF  }
0xb5: {  	_ =	strace $0x9000004B  }
0xb6: {  	_ =	sfence  }
0xb7: {  	s30 =	sld [smem:$0x0];
	_ =	sdelay $0x2  }
0xb8: {  	s31 =	sshll.u32 s1, $0xD;
	s1 =	sshrl.u32 s1, $0x2  }
0xb9: {  	s3 =	sand.u32 $0x4000, s31;
	s1 =	sadd.s32 s1, s30  }
0xba: {  	s0 =	sor.u32 s3, s0;
	s1 =	sshll.u32 s1, $0x11  }
0xbb: {  	s0 =	sor.u32 s1, s0  }
0xbc: {  	s0 =	sadd.s32 $0x8F2B, s0  }
0xbd: {  	[sflag:s0] =	ssyncadd.remote.s32 $0x1  }
0xbe: {  	_ =	sfence.sel $0xFFFF  }
0xbf: {  	[dreg:$0x0] =	wrdreg $0xFFFFFFFF;
	(pc) =	sbr.abs _section_cstart, $3  }
0xc0: {  	[dreg:$0x1] =	wrdreg $0xFFFFFFFF  }
0xc1: {  	_ =	task.clear_ibuf [dreg:s6], $0x2FFFF;
	_ =	strace $0x9FFFFFFF  }
0xc2: {  	(tm) =	ssettm $0x7FFFFFFF  }
0xc3: {  	_ =	shalt  }
tec
execute0_lowered:
.L_overlay_start_1:
0x0: {  	(tag) =	ssettag $0x1  }
0x1: {  	s0 =	srdreg.scid;
	s26 =	stileid.u32  }
0x2: {  	s5 =	rddreg [dreg:$0x0];
	s6 =	smul.u32 $0x271000, s26  }
0x3: {  	s2 =	rddreg [dreg:$0x1];
	s3 =	simm.s32 $0x0;
	s29 =	smul.u32 $0x9C4, s26  }
0x4: {  	s28 =	simm.s32 $0x0;
	s9 =	sand.u32 $0x1, s0;
	s30 =	smul.u32 $0x50000, s26  }
0x5: {  	[smem:$0x7FF] =	sst s3;
	s12 =	smul.u32 $0x14000, s26;
	s20 =	sadd.s32 $0x41800, s5  }
0x6: {  	s4 =	smul.u32 $0x2710000, s9;
	_ =	strace $0x8000004A;
	s7 =	ssub.s32 $0x2, s9  }
0x7: {  	s24 =	smul.u32 $0x140000, s9;
	s23 =	sadd.s32 s29, s5;
	s31 =	sshrl.u32 s7, $0x1  }
0x8: {  	s13 =	sor.u32 $0x2800, s12;
	s15 =	sadd.s32 $0x5000, s12;
	s16 =	sadd.s32 $0x7800, s12  }
0x9: {  	s17 =	sadd.s32 $0xA000, s12;
	s18 =	sadd.s32 $0xC800, s12;
	s19 =	sadd.s32 $0xF000, s12  }
0xa: {  	s25 =	sadd.s32 $0x11800, s12;
	s4 =	sadd.s32 s6, s4;
	s6 =	sshrl.u32 s30, $0x2  }
0xb: {  	s21 =	ssub.s32 s7, s31;
	s7 =	sadd.s32 s15, s2;
	s8 =	sadd.s32 s16, s2  }
0xc: {  	s9 =	sadd.s32 s17, s2;
	s10 =	sadd.s32 s18, s2;
	s11 =	sadd.s32 s19, s2  }
0xd: {  	s14 =	sadd.s32 s12, s24;
	s12 =	sadd.s32 s25, s2;
	s15 =	sadd.s32 s24, s15  }
0xe: {  	s16 =	sadd.s32 s24, s16;
	s17 =	sadd.s32 s24, s17;
	s18 =	sadd.s32 s24, s18  }
0xf: {  	s19 =	sadd.s32 s24, s19;
	s23 =	sadd.s32 $0xFA00, s23;
	s4 =	sshrl.u32 s4, $0x3  }
0x10: {  	s14 =	sshrl.u32 s14, $0x3;
	s15 =	sshrl.u32 s15, $0x3;
	s16 =	sshrl.u32 s16, $0x3  }
0x11: {  	s17 =	sshrl.u32 s17, $0x3;
	s18 =	sshrl.u32 s18, $0x3;
	s19 =	sshrl.u32 s19, $0x3  }
0x12: {  	s21 =	smax.u32 s21, $0x1;
	s22 =	sadd.s32 s4, s5;
	s4 =	sadd.s32 $0x19800, s5  }
0x13: {  	s5 =	sadd.s32 s6, s2;
	s6 =	sadd.s32 s13, s2;
	s13 =	sadd.s32 s24, s13  }
0x14: {  	s15 =	sadd.s32 s20, s15;
	s16 =	sadd.s32 s20, s16;
	s17 =	sadd.s32 s20, s17  }
0x15: {  	s24 =	sadd.s32 s24, s25;
	s18 =	sadd.s32 s20, s18;
	s19 =	sadd.s32 s20, s19  }
0x16: {  	s25 =	simm.s32 $0x1;
	s26 =	sshrl.u32 s13, $0x3;
	s13 =	sadd.s32 s20, s14  }
0x17: {  	s24 =	sshrl.u32 s24, $0x3;
	s22 =	sadd.s32 $0xEBF800, s22;
	s14 =	sadd.s32 s20, s26  }
0x18: {  	s20 =	sadd.s32 s20, s24;
	s24 =	simm.s32 $0x80;
	s26 =	simm.s32 $0x50  }
.LBB2_1:
0x19: {  	[tilespmem:s24], [sflag:$0x1] =	stream.linear.gather [hbm4b:s4+s3], $0x2800, $0x38;
	[tilespmem:$0x16880] =	vst v63  }
0x1a: {  	_ =	swait.ge [sflag:s25], $0x2800  }
0x1b: {  	[sflag:s25] =	ssyncset.done $0x0  }
0x1c: {  	[sflag:s25] =	ssyncadd.s32 $0xFFFFD800  }
0x1d: {  	[spmem:s5] =	stream.linear.scatter [tilespmem:s24], [sflag:$0x1], $0x2800, $0x38;
	[tilespmem:$0x16880] =	vst v63  }
0x1e: {  	_ =	swait.ge [sflag:s25], $0x2800  }
0x1f: {  	[sflag:s25] =	ssyncset.done $0x0  }
0x20: {  	[sflag:s25] =	ssyncadd.s32 $0xFFFFD800  }
0x21: {  	[spmem:s6] =	stream.linear.scatter [tilespmem:s24], [sflag:$0x1], $0x2800, $0x38;
	[tilespmem:$0x16880] =	vst v63  }
0x22: {  	_ =	swait.ge [sflag:s25], $0x2800  }
0x23: {  	[sflag:s25] =	ssyncset.done $0x0  }
0x24: {  	[sflag:s25] =	ssyncadd.s32 $0xFFFFD800  }
0x25: {  	[spmem:s7] =	stream.linear.scatter [tilespmem:s24], [sflag:$0x1], $0x2800, $0x38;
	[tilespmem:$0x16880] =	vst v63  }
0x26: {  	_ =	swait.ge [sflag:s25], $0x2800  }
0x27: {  	[sflag:s25] =	ssyncset.done $0x0  }
0x28: {  	[sflag:s25] =	ssyncadd.s32 $0xFFFFD800  }
0x29: {  	[spmem:s8] =	stream.linear.scatter [tilespmem:s24], [sflag:$0x1], $0x2800, $0x38;
	[tilespmem:$0x16880] =	vst v63  }
0x2a: {  	_ =	swait.ge [sflag:s25], $0x2800  }
0x2b: {  	[sflag:s25] =	ssyncset.done $0x0  }
0x2c: {  	[sflag:s25] =	ssyncadd.s32 $0xFFFFD800  }
0x2d: {  	[spmem:s9] =	stream.linear.scatter [tilespmem:s24], [sflag:$0x1], $0x2800, $0x38;
	[tilespmem:$0x16880] =	vst v63  }
0x2e: {  	_ =	swait.ge [sflag:s25], $0x2800  }
0x2f: {  	[sflag:s25] =	ssyncset.done $0x0  }
0x30: {  	[sflag:s25] =	ssyncadd.s32 $0xFFFFD800  }
0x31: {  	[spmem:s10] =	stream.linear.scatter [tilespmem:s24], [sflag:$0x1], $0x2800, $0x38;
	[tilespmem:$0x16880] =	vst v63  }
0x32: {  	_ =	swait.ge [sflag:s25], $0x2800  }
0x33: {  	[sflag:s25] =	ssyncset.done $0x0  }
0x34: {  	[sflag:s25] =	ssyncadd.s32 $0xFFFFD800  }
0x35: {  	[spmem:s11] =	stream.linear.scatter [tilespmem:s24], [sflag:$0x1], $0x2800, $0x38;
	[tilespmem:$0x16880] =	vst v63  }
0x36: {  	_ =	swait.ge [sflag:s25], $0x2800  }
0x37: {  	[sflag:s25] =	ssyncset.done $0x0  }
0x38: {  	[sflag:s25] =	ssyncadd.s32 $0xFFFFD800  }
0x39: {  	[spmem:s12] =	stream.linear.scatter [tilespmem:s24], [sflag:$0x1], $0x2800, $0x38;
	[tilespmem:$0x16880] =	vst v63  }
0x3a: {  	_ =	swait.ge [sflag:s25], $0x2800  }
0x3b: {  	[sflag:s25] =	ssyncset.done $0x0  }
0x3c: {  	[sflag:s25] =	ssyncadd.s32 $0xFFFFD800  }
0x3d: {  	s29 =	sadd.s32 $0x0, s23;
	[bflag:$0x0] =	sbarrier.arrive $0xFFFF  }
0x3e: {  	[tilespmem:s3], [sflag:$0x1] =	stream.linear.gather [hbm4b:s29+s3], $0x50, $0x38;
	[tilespmem:$0x16880] =	vst v63  }
0x3f: {  	_ =	swait.ge [sflag:s25], $0x50  }
0x40: {  	[sflag:s25] =	ssyncset.done $0x0  }
0x41: {  	[sflag:s25] =	ssyncadd.s32 $0xFFFFFFB0  }
0x42: {  	[tilespmem:s24], [sflag:$0x1] =	stream.linear.gather [hbm4b:s22+s3], $0x2800, $0x38;
	[tilespmem:$0x16880] =	vst v63  }
0x43: {  	_ =	swait.ge [sflag:s25], $0x2800  }
0x44: {  	[sflag:s25] =	ssyncset.done $0x0  }
0x45: {  	[sflag:s25] =	ssyncadd.s32 $0xFFFFD800  }
0x46: {  	[spmem:s2] =	stream.indirect.scatter.add.f32 [tilespmem:s24], [sflag:$0x1], $0x80, s3, s26, $0xb8;
	[tilespmem:$0x16880] =	vst v63  }
0x47: {  	s30 =	simm.s32 $0xA;
	_ =	swait.ge [sflag:s25], $0x2800  }
0x48: {  	s31 =	simm.s32 $0x14;
	s29 =	sadd.s32 $0x500, s22;
	[sflag:s25] =	ssyncset.done $0x0  }
.LBB2_2:
0x49: {  	s1 =	sadd.s32 s30, s23  }
0x4a: {  	[sflag:s25] =	ssyncadd.s32 $0xFFFFD800;
	s30 =	smov.u32 s31;
	s0 =	sadd.s32 $0xA, s31  }
0x4b: {  	[tilespmem:s3], [sflag:$0x1] =	stream.linear.gather [hbm4b:s1+s3], $0x50, $0x38;
	[tilespmem:$0x16880] =	vst v63  }
0x4c: {  	p0 =	sne.s32 s31, $0x9BA;
	_ =	swait.ge [sflag:s25], $0x50  }
0x4d: {  	[sflag:s25] =	ssyncset.done $0x0  }
0x4e: {  	[sflag:s25] =	ssyncadd.s32 $0xFFFFFFB0  }
0x4f: {  	[tilespmem:s24], [sflag:$0x1] =	stream.linear.gather [hbm4b:s29+s3], $0x2800, $0x38;
	[tilespmem:$0x16880] =	vst v63  }
0x50: {  	_ =	swait.ge [sflag:s25], $0x2800  }
.Ltmp0:
0x51: {  	[sflag:s25] =	ssyncset.done $0x0;
	(pc) =	sbr.rel @p0 .LBB2_2-.Ltmp0, $4  }
0x52: {  	[sflag:s25] =	ssyncadd.s32 $0xFFFFD800  }
0x53: {  	[spmem:s2] =	stream.indirect.scatter.add.f32 [tilespmem:s24], [sflag:$0x1], $0x80, s3, s26, $0xb8;
	[tilespmem:$0x16880] =	vst v63  }
0x54: {  	_ =	swait.ge [sflag:s25], $0x2800  }
0x55: {  	s31 =	smov.u32 s0;
	s29 =	sadd.s32 $0x500, s29;
	[sflag:s25] =	ssyncset.done $0x0  }
0x56: {  	s0 =	sadd.s32 s30, s23;
	[sflag:s25] =	ssyncadd.s32 $0xFFFFD800  }
0x57: {  	[tilespmem:s3], [sflag:$0x1] =	stream.linear.gather [hbm4b:s0+s3], $0x50, $0x38;
	[tilespmem:$0x16880] =	vst v63  }
0x58: {  	_ =	swait.ge [sflag:s25], $0x50  }
0x59: {  	[sflag:s25] =	ssyncset.done $0x0  }
0x5a: {  	[sflag:s25] =	ssyncadd.s32 $0xFFFFFFB0  }
0x5b: {  	[tilespmem:s24], [sflag:$0x1] =	stream.linear.gather [hbm4b:s29+s3], $0x2800, $0x38;
	[tilespmem:$0x16880] =	vst v63  }
0x5c: {  	_ =	swait.ge [sflag:s25], $0x2800  }
0x5d: {  	[sflag:s25] =	ssyncset.done $0x0  }
0x5e: {  	[sflag:s25] =	ssyncadd.s32 $0xFFFFD800  }
0x5f: {  	[spmem:s2] =	stream.indirect.scatter.add.f32 [tilespmem:s24], [sflag:$0x1], $0x80, s3, s26, $0xb8;
	[tilespmem:$0x16880] =	vst v63  }
0x60: {  	_ =	swait.ge [sflag:s25], $0x2800  }
0x61: {  	[sflag:s25] =	ssyncset.done $0x0  }
0x62: {  	[sflag:s25] =	ssyncadd.s32 $0xFFFFD800  }
0x63: {  	[bflag:$0x0] =	sbarrier.arrive $0xFFFF  }
0x64: {  	[tilespmem:s24], [sflag:$0x1] =	stream.linear.gather [spmem:s5], $0x2800, $0x38;
	[tilespmem:$0x16880] =	vst v63  }
0x65: {  	_ =	swait.ge [sflag:s25], $0x2800  }
0x66: {  	[sflag:s25] =	ssyncset.done $0x0  }
0x67: {  	[sflag:s25] =	ssyncadd.s32 $0xFFFFD800  }
0x68: {  	[hbm4b:s13+s3] =	stream.linear.scatter [tilespmem:s24], [sflag:$0x1], $0x2800, $0x38;
	[tilespmem:$0x16880] =	vst v63  }
0x69: {  	_ =	swait.ge [sflag:s25], $0x2800  }
0x6a: {  	[sflag:s25] =	ssyncset.done $0x0  }
0x6b: {  	[sflag:s25] =	ssyncadd.s32 $0xFFFFD800  }
0x6c: {  	[tilespmem:s24], [sflag:$0x1] =	stream.linear.gather [spmem:s6], $0x2800, $0x38;
	[tilespmem:$0x16880] =	vst v63  }
0x6d: {  	_ =	swait.ge [sflag:s25], $0x2800  }
0x6e: {  	[sflag:s25] =	ssyncset.done $0x0  }
0x6f: {  	[sflag:s25] =	ssyncadd.s32 $0xFFFFD800  }
0x70: {  	[hbm4b:s14+s3] =	stream.linear.scatter [tilespmem:s24], [sflag:$0x1], $0x2800, $0x38;
	[tilespmem:$0x16880] =	vst v63  }
0x71: {  	_ =	swait.ge [sflag:s25], $0x2800  }
0x72: {  	[sflag:s25] =	ssyncset.done $0x0  }
0x73: {  	[sflag:s25] =	ssyncadd.s32 $0xFFFFD800  }
0x74: {  	[tilespmem:s24], [sflag:$0x1] =	stream.linear.gather [spmem:s7], $0x2800, $0x38;
	[tilespmem:$0x16880] =	vst v63  }
0x75: {  	_ =	swait.ge [sflag:s25], $0x2800  }
0x76: {  	[sflag:s25] =	ssyncset.done $0x0  }
0x77: {  	[sflag:s25] =	ssyncadd.s32 $0xFFFFD800  }
0x78: {  	[hbm4b:s15+s3] =	stream.linear.scatter [tilespmem:s24], [sflag:$0x1], $0x2800, $0x38;
	[tilespmem:$0x16880] =	vst v63  }
0x79: {  	_ =	swait.ge [sflag:s25], $0x2800  }
0x7a: {  	[sflag:s25] =	ssyncset.done $0x0  }
0x7b: {  	[sflag:s25] =	ssyncadd.s32 $0xFFFFD800  }
0x7c: {  	[tilespmem:s24], [sflag:$0x1] =	stream.linear.gather [spmem:s8], $0x2800, $0x38;
	[tilespmem:$0x16880] =	vst v63  }
0x7d: {  	_ =	swait.ge [sflag:s25], $0x2800  }
0x7e: {  	[sflag:s25] =	ssyncset.done $0x0  }
0x7f: {  	[sflag:s25] =	ssyncadd.s32 $0xFFFFD800  }
0x80: {  	[hbm4b:s16+s3] =	stream.linear.scatter [tilespmem:s24], [sflag:$0x1], $0x2800, $0x38;
	[tilespmem:$0x16880] =	vst v63  }
0x81: {  	_ =	swait.ge [sflag:s25], $0x2800  }
0x82: {  	[sflag:s25] =	ssyncset.done $0x0  }
0x83: {  	[sflag:s25] =	ssyncadd.s32 $0xFFFFD800  }
0x84: {  	[tilespmem:s24], [sflag:$0x1] =	stream.linear.gather [spmem:s9], $0x2800, $0x38;
	[tilespmem:$0x16880] =	vst v63  }
0x85: {  	_ =	swait.ge [sflag:s25], $0x2800  }
0x86: {  	[sflag:s25] =	ssyncset.done $0x0  }
0x87: {  	[sflag:s25] =	ssyncadd.s32 $0xFFFFD800  }
0x88: {  	[hbm4b:s17+s3] =	stream.linear.scatter [tilespmem:s24], [sflag:$0x1], $0x2800, $0x38;
	[tilespmem:$0x16880] =	vst v63  }
0x89: {  	_ =	swait.ge [sflag:s25], $0x2800  }
0x8a: {  	[sflag:s25] =	ssyncset.done $0x0  }
0x8b: {  	[sflag:s25] =	ssyncadd.s32 $0xFFFFD800  }
0x8c: {  	[tilespmem:s24], [sflag:$0x1] =	stream.linear.gather [spmem:s10], $0x2800, $0x38;
	[tilespmem:$0x16880] =	vst v63  }
0x8d: {  	_ =	swait.ge [sflag:s25], $0x2800  }
0x8e: {  	[sflag:s25] =	ssyncset.done $0x0  }
0x8f: {  	[sflag:s25] =	ssyncadd.s32 $0xFFFFD800  }
0x90: {  	[hbm4b:s18+s3] =	stream.linear.scatter [tilespmem:s24], [sflag:$0x1], $0x2800, $0x38;
	[tilespmem:$0x16880] =	vst v63  }
0x91: {  	_ =	swait.ge [sflag:s25], $0x2800  }
0x92: {  	[sflag:s25] =	ssyncset.done $0x0  }
0x93: {  	[sflag:s25] =	ssyncadd.s32 $0xFFFFD800  }
0x94: {  	[tilespmem:s24], [sflag:$0x1] =	stream.linear.gather [spmem:s11], $0x2800, $0x38;
	[tilespmem:$0x16880] =	vst v63  }
0x95: {  	_ =	swait.ge [sflag:s25], $0x2800  }
0x96: {  	[sflag:s25] =	ssyncset.done $0x0  }
0x97: {  	[sflag:s25] =	ssyncadd.s32 $0xFFFFD800  }
0x98: {  	[hbm4b:s19+s3] =	stream.linear.scatter [tilespmem:s24], [sflag:$0x1], $0x2800, $0x38;
	[tilespmem:$0x16880] =	vst v63  }
0x99: {  	_ =	swait.ge [sflag:s25], $0x2800  }
0x9a: {  	[sflag:s25] =	ssyncset.done $0x0  }
0x9b: {  	[sflag:s25] =	ssyncadd.s32 $0xFFFFD800  }
0x9c: {  	[tilespmem:s24], [sflag:$0x1] =	stream.linear.gather [spmem:s12], $0x2800, $0x38;
	[tilespmem:$0x16880] =	vst v63  }
0x9d: {  	s28 =	sadd.s32 $0x1, s28;
	_ =	swait.ge [sflag:s25], $0x2800  }
0x9e: {  	p0 =	sne.s32 s28, s21;
	[sflag:s25] =	ssyncset.done $0x0  }
.Ltmp1:
0x9f: {  	[sflag:s25] =	ssyncadd.s32 $0xFFFFD800;
	(pc) =	sbr.rel @p0 .LBB2_1-.Ltmp1, $4  }
0xa0: {  	[hbm4b:s20+s3] =	stream.linear.scatter [tilespmem:s24], [sflag:$0x1], $0x2800, $0x38;
	[tilespmem:$0x16880] =	vst v63  }
0xa1: {  	_ =	swait.ge [sflag:s25], $0x2800  }
0xa2: {  	[sflag:s25] =	ssyncset.done $0x0  }
0xa3: {  	[sflag:s25] =	ssyncadd.s32 $0xFFFFD800  }
0xa4: {  	_ =	sfence.sel $0x180000  }
0xa5: {  	[bflag:$0x0] =	sbarrier.arrive $0xFFFF  }
0xa6: {  	_ =	strace $0x9000004A  }
0xa7: {  	s0 =	stileid.u32;
	[bflag:$0x2] =	sbarrier.arrive $0xFFFF  }
0xa8: {  	p0 =	sne.s32 s0, $0x0;
	s0 =	rddreg [dreg:$0x2]  }
0xa9: {  	s0 =	sadd.s32 @!p0 $0x100000, s0  }
0xaa: {  	[sflag:s0] =	ssyncadd.tile.s32 @!p0 $0x1;
	_ =	shalt  }
.Lfunc_end2:
_tile_overlayer_lowered:
.L_overlay_start_2:
0xab: {  	(tag) =	ssettag $0x2  }
0xac: {  	s0 =	rddreg [dreg:$0x0];
	s2 =	stileid.u32  }
0xad: {  	s1 =	rddreg [dreg:$0x1];
	p0 =	sne.s32 s2, $0x0  }
0xae: {  	s3 =	rddreg [dreg:$0x2];
	[bflag:$0x3] =	sbarrier.arrive $0xFFFF;
	s2 =	simm.s32 @!p0 $0x1C01  }
0xaf: {  	[timem:s3], [sflag:s2] =	dma.local @!p0 [hbm:s0], s1  }
0xb0: {  	s0 =	simm.s32 @!p0 $0x1  }
0xb1: {  	_ =	swait.ge @!p0 [sflag:s0], s1  }
0xb2: {  	s1 =	ssub.s32 @!p0 $0x0, s1;
	[sflag:s0] =	ssyncset.done @!p0 $0x0  }
0xb3: {  	[sflag:s0] =	ssyncadd.s32 @!p0 s1  }
0xb4: {  	[bflag:$0x3] =	sbarrier.arrive $0xFFFF  }
0xb5: {  	_ =	shalt  }

// kernel: kernel.7.cloned.1.call-start
scs
__scs_entry_jumppad:
0x0: {  	(pc) =	sbr.rel $0x88, $3  }
0x1: {  	(tag) =	ssettag $0x0;
	lr =	simm.s32 $0x1  }
0x2: {  	[smem:$0x3F86] =	sst lr;
	_ =	strace $0xD0000000  }
0x3: {  	_ = 	snop  }
0x4: {  	_ = 	snop  }
0x5: {  	_ = 	snop  }
0x6: {  	_ = 	snop  }
0x7: {  	_ = 	snop  }
__scs_overlays_trampoline_lowered:
0x8: {  	[smem:$0x3F95] =	sst s0  }
0x9: {  	[smem:$0x3F96] =	sst s1  }
0xa: {  	[smem:$0x3F97] =	sst s2  }
0xb: {  	[smem:$0x3F98] =	sst s3  }
0xc: {  	[smem:$0x3F99] =	sst s4  }
0xd: {  	[smem:$0x3F9A] =	sst s5  }
0xe: {  	[smem:$0x3F9B] =	sst s6  }
0xf: {  	[smem:$0x3F9C] =	sst s7  }
0x10: {  	[smem:$0x3F9D] =	sst s8  }
0x11: {  	[smem:$0x3F9E] =	sst s9;
	s0 =	simm.s32 @!p0 $0x0  }
0x12: {  	s1 =	sld [smem:$0x3F84];
	s0 =	simm.s32 @p0 $0x1  }
0x13: {  	[smem:$0x3F9F] =	sst s0;
	s0 =	simm.s32 @!p1 $0x0  }
0x14: {  	s2 =	sld [smem:$0x3F83];
	s0 =	simm.s32 @p1 $0x1  }
0x15: {  	[smem:$0x3FA0] =	sst s0;
	s0 =	simm.s32 @!p2 $0x0  }
0x16: {  	s3 =	sld [smem:$0x3FDB];
	s0 =	simm.s32 @p2 $0x1  }
0x17: {  	s4 =	simm.s32 $0x1BF5;
	[smem:$0x3FA2] =	sst s0  }
0x18: {  	s0 =	sld [smem:$0x3F85];
	_ =	swait.ge [sflag:s4], $0x0  }
0x19: {  	s7 =	sld [smem:$0x3F86]  }
0x1a: {  	s8 =	sadd.s32 $0xFFFFE003, lr  }
0x1b: {  	s9 =	sadd.s32 $0xFFFFFEF7, lr;
	s5 =	simm.s32 $0xFFFFFFFF;
	p2 =	slt.u32 s8, $0xFFFFF086  }
0x1c: {  	p1 =	slt.u32 s9, $0xF7A;
	s5 =	simm.s32 @!p2 $0x0  }
0x1d: {  	s5 =	simm.s32 @p1 $0x1;
	p0 =	seq.s32 s7, s2  }
0x1e: {  	s7 =	smul.u32 @!p0 $0xF7A, s2;
	p2 =	seq.s32 @!p0 s5, $0x0  }
0x1f: {  	s9 =	smul.u32 $0xF7A, s1;
	s8 =	simm.s32 @!p0 $0x1BF5;
	p2 =	por !p2, p0  }
0x20: {  	[sflag:s8] =	ssyncset.s32 @!p0 $0xFFFFF086;
	s6 =	sadd.s32 @!p0 s3, s7;
	s7 =	simm.s32 @!p0 $0x108  }
0x21: {  	s3 =	sadd.s32 s3, s9;
	s6 =	sadd.s32 @!p0 $0x88, s6;
	s7 =	simm.s32 @p2 $0x1082  }
0x22: {  	[simem:s7], [sflag:s8] =	dma.local @!p0 [hbm:s6], $0xF7A  }
0x23: {  	s9 =	sor.u32 $0xD0000000, s2;
	s6 =	simm.s32 $0x108;
	_ =	swait.ge @!p0 [sflag:s8], $0x0  }
0x24: {  	s3 =	sadd.s32 $0x88, s3;
	s6 =	simm.s32 @!p1 $0x1082;
	[sflag:s4] =	ssyncset.s32 $0xFFFFF086  }
0x25: {  	[simem:s6], [sflag:s4] =	dma.local [hbm:s3], $0xF7A  }
0x26: {  	[smem:$0x3F86] =	sst s1;
	(tag) =	ssettag s2;
	_ =	strace s9  }
0x27: {  	s1 =	sld [smem:$0x3F96]  }
0x28: {  	s2 =	sld [smem:$0x3F97]  }
0x29: {  	s4 =	sld [smem:$0x3F99]  }
0x2a: {  	p0 =	seq.s32 s5, $0x0;
	s5 =	sld [smem:$0x3F9A]  }
0x2b: {  	s6 =	sld [smem:$0x3F9B]  }
0x2c: {  	s7 =	sld [smem:$0x3F9C]  }
0x2d: {  	s3 =	simm.s32 $0x108;
	s8 =	sld [smem:$0x3F9D]  }
0x2e: {  	s3 =	simm.s32 @!p0 $0x1082;
	s9 =	sld [smem:$0x3F9E]  }
0x2f: {  	lr =	sadd.s32 s0, s3;
	s0 =	sld [smem:$0x3F95]  }
0x30: {  	s3 =	sld [smem:$0x3F98]  }
0x31: {  	[smem:$0x3FA1] =	sst s10  }
0x32: {  	s10 =	sld [smem:$0x3F9F];
	_ =	sdelay $0x3  }
0x33: {  	p0 =	seq.s32 s10, $0x1;
	s10 =	sld [smem:$0x3FA1];
	_ =	sdelay $0x3  }
0x34: {  	[smem:$0x3FA1] =	sst s10  }
0x35: {  	s10 =	sld [smem:$0x3FA0];
	_ =	sdelay $0x3  }
0x36: {  	p1 =	seq.s32 s10, $0x1;
	s10 =	sld [smem:$0x3FA1];
	_ =	sdelay $0x3  }
0x37: {  	[smem:$0x3FA1] =	sst s10  }
0x38: {  	s10 =	sld [smem:$0x3FA2]  }
0x39: {  	_ = 	snop;
	(pc) =	sbr.ind lr, $3  }
0x3a: {  	_ = 	snop  }
0x3b: {  	_ = 	snop  }
0x3c: {  	p2 =	seq.s32 s10, $0x1;
	s10 =	sld [smem:$0x3FA1]  }
0x3d: {  	_ =	shalt  }
0x3e: {  	_ =	shalt  }
0x3f: {  	_ =	shalt  }
0x40: {  	_ =	shalt  }
0x41: {  	_ =	shalt  }
0x42: {  	_ =	shalt  }
0x43: {  	_ =	shalt  }
0x44: {  	_ =	shalt  }
0x45: {  	_ =	shalt  }
0x46: {  	_ =	shalt  }
0x47: {  	_ =	shalt  }
0x48: {  	_ =	shalt  }
0x49: {  	_ =	shalt  }
0x4a: {  	_ =	shalt  }
0x4b: {  	_ =	shalt  }
0x4c: {  	_ =	shalt  }
0x4d: {  	_ =	shalt  }
0x4e: {  	_ =	shalt  }
0x4f: {  	_ =	shalt  }
0x50: {  	_ =	shalt  }
0x51: {  	_ =	shalt  }
0x52: {  	_ =	shalt  }
0x53: {  	_ =	shalt  }
0x54: {  	_ =	shalt  }
0x55: {  	_ =	shalt  }
0x56: {  	_ =	shalt  }
0x57: {  	_ =	shalt  }
0x58: {  	_ =	shalt  }
0x59: {  	_ =	shalt  }
0x5a: {  	_ =	shalt  }
0x5b: {  	_ =	shalt  }
0x5c: {  	_ =	shalt  }
0x5d: {  	_ =	shalt  }
0x5e: {  	_ =	shalt  }
0x5f: {  	_ =	shalt  }
0x60: {  	_ =	shalt  }
0x61: {  	_ =	shalt  }
0x62: {  	_ =	shalt  }
0x63: {  	_ =	shalt  }
0x64: {  	_ =	shalt  }
0x65: {  	_ =	shalt  }
0x66: {  	_ =	shalt  }
0x67: {  	_ =	shalt  }
0x68: {  	_ =	shalt  }
0x69: {  	_ =	shalt  }
0x6a: {  	_ =	shalt  }
0x6b: {  	_ =	shalt  }
0x6c: {  	_ =	shalt  }
0x6d: {  	_ =	shalt  }
0x6e: {  	_ =	shalt  }
0x6f: {  	_ =	shalt  }
0x70: {  	_ =	shalt  }
0x71: {  	_ =	shalt  }
0x72: {  	_ =	shalt  }
0x73: {  	_ =	shalt  }
0x74: {  	_ =	shalt  }
0x75: {  	_ =	shalt  }
0x76: {  	_ =	shalt  }
0x77: {  	_ =	shalt  }
0x78: {  	_ =	shalt  }
0x79: {  	_ =	shalt  }
0x7a: {  	_ =	shalt  }
0x7b: {  	_ =	shalt  }
0x7c: {  	_ =	shalt  }
0x7d: {  	_ =	shalt  }
0x7e: {  	_ =	shalt  }
0x7f: {  	_ =	shalt  }
0x80: {  	_ =	shalt  }
0x81: {  	_ =	shalt  }
0x82: {  	_ =	shalt  }
0x83: {  	_ =	shalt  }
0x84: {  	_ =	shalt  }
0x85: {  	_ =	shalt  }
0x86: {  	_ =	shalt  }
0x87: {  	_ =	shalt  }
.Lfunc_end0:
.L_simem_size_0:
called_computation_lowered:
.L_overlay_start_0:
0x88: {  	s2 =	sld [smem:$0x3FD9]  }
0x89: {  	s3 =	sld [smem:$0x3FFE];
	_ =	sdelay $0x1  }
0x8a: {  	s1 =	srdreg.scid  }
0x8b: {  	s0 =	sand.u32 $0x1, s1  }
0x8c: {  	s17 =	sshll.u32 s0, $0xA;
	s2 =	sadd.s32 s3, s2  }
0x8d: {  	s2 =	sadd.s32 s2, s17  }
0x8e: {  	[smem:$0x3FAD] =	sst s2  }
0x8f: {  	_ = 	snop  }
0x90: {  	s2 =	sld [smem:$0x3FD0];
	(tm) =	ssettm $0x1  }
0x91: {  	s18 =	sld [smem:$0x3FFB];
	_ =	sdelay $0x3  }
0x92: {  	_ =	strace s18  }
0x93: {  	s3 =	sld [smem:$0x3FFC];
	_ =	sdelay $0x3  }
0x94: {  	_ =	strace s3  }
0x95: {  	s3 =	sld [smem:$0x3FFD];
	_ =	sdelay $0x3  }
0x96: {  	_ =	strace s3  }
0x97: {  	_ =	strace $0x8FFFFFFF  }
0x98: {  	s19 =	sld [smem:$0x3FDB];
	_ =	sdelay $0x1  }
0x99: {  	s4 =	simm.s32 $_scs_section_size  }
0x9a: {  	s5 =	simm.s32 $_size__tile_overlayer_lowered;
	s6 =	simm.s32 $_tile_overlayer_lowered  }
0x9b: {  	s22 =	simm.s32 $0x1BFF;
	s21 =	sshll.u32 s6, $0x1;
	s3 =	sadd.s32 s4, s19  }
0x9c: {  	s7 =	simm.s32 $0x0;
	s20 =	sshll.u32 s5, $0x1;
	s5 =	sadd.s32 s21, s3  }
0x9d: {  	[timem:s7], [sflag:s22] =	dma.local [hbm:s5], s20  }
0x9e: {  	_ =	swait.ge [sflag:s22], s20  }
0x9f: {  	s4 =	ssub.s32 $0x0, s20;
	[sflag:s22] =	ssyncset.done $0x0  }
0xa0: {  	[sflag:s22] =	ssyncadd.s32 s4;
	_ =	sdelay $0x1  }
0xa1: {  	s23 =	simm.s32 $0x1B8B  }
0xa2: {  	_ =	swait.ge [sflag:s23], $0x1  }
0xa3: {  	[sflag:s23] =	ssyncset.done $0x0  }
0xa4: {  	s25 =	simm.s32 $0x1B8E;
	s24 =	sld [smem:$0x3FFE];
	[sflag:s23] =	ssyncadd.s32 $0xFFFFFFFF  }
0xa5: {  	s26 =	simm.s32 $execute0_lowered;
	[smem:$0x3FD2] =	sst s25  }
0xa6: {  	s5 =	sshll.u32 s26, $0x1;
	_ =	strace $0x80000046;
	[dreg:$0x1] =	wrdreg $0xFFFFFFFF  }
0xa7: {  	s28 =	simm.s32 $_size_execute0_lowered;
	s3 =	sadd.s32 s3, s5;
	[dreg:$0x0] =	wrdreg $0x0  }
0xa8: {  	s5 =	sshll.u32 s28, $0x1;
	[dreg:$0x2] =	wrdreg s3  }
0xa9: {  	[dreg:$0x3] =	wrdreg s5  }
0xaa: {  	[dreg:$0x4] =	wrdreg $0xC0  }
0xab: {  	_ =	task [dreg:s7], $0x5FFFF  }
0xac: {  	[dreg:$0x1] =	wrdreg $0xFFFFFFFF  }
0xad: {  	[dreg:$0x0] =	wrdreg $0x60  }
0xae: {  	[dreg:$0x2] =	wrdreg s2  }
0xaf: {  	[dreg:$0x3] =	wrdreg s24  }
0xb0: {  	[dreg:$0x4] =	wrdreg $0x9  }
0xb1: {  	_ =	task.clear_ibuf [dreg:s7], $0x5FFFF;
	_ =	strace $0x90000046  }
0xb2: {  	s29 =	simm.s32 $0x9;
	_ =	strace $0x80000048  }
0xb3: {  	_ =	swait.ge [sflag:s29], $0x1  }
0xb4: {  	[sflag:s29] =	ssyncadd.s32 $0xFFFFFFFF  }
0xb5: {  	_ =	strace $0x90000048  }
0xb6: {  	_ =	sfence  }
0xb7: {  	s30 =	sld [smem:$0x0];
	_ =	sdelay $0x2  }
0xb8: {  	s31 =	sshll.u32 s1, $0xD;
	s1 =	sshrl.u32 s1, $0x2  }
0xb9: {  	s3 =	sand.u32 $0x4000, s31;
	s1 =	sadd.s32 s1, s30  }
0xba: {  	s0 =	sor.u32 s3, s0;
	s1 =	sshll.u32 s1, $0x11  }
0xbb: {  	s0 =	sor.u32 s1, s0  }
0xbc: {  	s0 =	sadd.s32 $0x8F2B, s0  }
0xbd: {  	[sflag:s0] =	ssyncadd.remote.s32 $0x1  }
0xbe: {  	_ =	sfence.sel $0xFFFF  }
0xbf: {  	[dreg:$0x0] =	wrdreg $0xFFFFFFFF;
	(pc) =	sbr.abs _section_cstart, $3  }
0xc0: {  	[dreg:$0x1] =	wrdreg $0xFFFFFFFF  }
0xc1: {  	_ =	task.clear_ibuf [dreg:s7], $0x2FFFF;
	_ =	strace $0x9FFFFFFF  }
0xc2: {  	(tm) =	ssettm $0x7FFFFFFF  }
0xc3: {  	_ =	shalt  }
tec
execute0_lowered:
.L_overlay_start_1:
0x0: {  	(tag) =	ssettag $0x1  }
0x1: {  	s1 =	rddreg [dreg:$0x0]  }
0x2: {  	s4 =	rddreg [dreg:$0x1]  }
0x3: {  	s2 =	srdreg.scid;
	s0 =	rddreg [dreg:$0x2]  }
0x4: {  	s3 =	simm.s32 $0x0;
	s11 =	simm.s32 $0x50;
	s12 =	simm.s32 $0x100  }
0x5: {  	s13 =	simm.s32 $0x2900;
	s14 =	simm.s32 $0x1;
	s5 =	sand.u32 $0x1, s2  }
0x6: {  	s15 =	simm.s32 $0x2;
	s2 =	stileid.u32;
	s6 =	smul.u32 $0x27100, s5  }
0x7: {  	s16 =	simm.s32 $0x0;
	[smem:$0x7FF] =	sst s3;
	s7 =	smul.u32 $0x2710, s2  }
0x8: {  	_ =	strace $0x80000047;
	s8 =	smul.u32 $0x271000, s5;
	s5 =	ssub.s32 $0x2, s5  }
0x9: {  	s9 =	smul.u32 $0x27100, s2;
	s30 =	sshrl.u32 s5, $0x1;
	s6 =	sadd.s32 s7, s6  }
0xa: {  	s8 =	sadd.s32 s8, s4;
	s5 =	ssub.s32 s5, s30;
	s6 =	sshrl.u32 s6, $0x3  }
0xb: {  	s31 =	sadd.s32 s9, s8;
	s9 =	simm.s32 $0x3;
	s10 =	sadd.s32 s6, s4  }
0xc: {  	s4 =	smax.u32 s5, $0x1;
	s5 =	sadd.s32 $0x19800, s31;
	s6 =	sadd.s32 $0x4FB800, s31  }
0xd: {  	s7 =	sadd.s32 $0x5C00, s10;
	s8 =	sadd.s32 $0xFA00, s10;
	s10 =	simm.s32 $0x80  }
.LBB2_1:
0xe: {  	s17 =	sadd.s32 $0x0, s8  }
0xf: {  	[tilespmem:s3], [sflag:$0x3] =	stream.linear.gather [hbm4b:s17+s3], $0x50, $0x38;
	[tilespmem:$0x5100] =	vst v63  }
0x10: {  	_ =	swait.ge [sflag:s9], $0x50  }
0x11: {  	[sflag:s9] =	ssyncset.done $0x0  }
0x12: {  	s31 =	sadd.s32 $0x0, s7;
	[sflag:s9] =	ssyncadd.s32 $0xFFFFFFB0  }
0x13: {  	[tilespmem:s10], [sflag:$0x3] =	stream.linear.gather [hbm4b:s31+s3], $0x50, $0x38;
	[tilespmem:$0x5100] =	vst v63  }
0x14: {  	_ =	swait.ge [sflag:s9], $0x50  }
0x15: {  	[sflag:s9] =	ssyncset.done $0x0  }
0x16: {  	[sflag:s9] =	ssyncadd.s32 $0xFFFFFFB0  }
0x17: {  	[tilespmem:s12], [sflag:$0x1] =	stream.indirect.gather [hbm4b:s1+s11], $0x80, s3, s11, $0xb8;
	[tilespmem:$0x5100] =	vst v63  }
0x18: {  	_ = 	snop  }
0x19: {  	[tilespmem:s13], [sflag:$0x2] =	stream.indirect.gather [hbm4b:s1+s11], $0x80, s10, s11, $0xb8;
	[tilespmem:$0x5100] =	vst v63  }
0x1a: {  	_ =	swait.ge [sflag:s14], $0x2800  }
0x1b: {  	[sflag:s14] =	ssyncset.done $0x0  }
0x1c: {  	[sflag:s14] =	ssyncadd.s32 $0xFFFFD800  }
0x1d: {  	_ =	swait.ge [sflag:s15], $0x2800  }
0x1e: {  	[sflag:s15] =	ssyncset.done $0x0  }
0x1f: {  	[sflag:s15] =	ssyncadd.s32 $0xFFFFD800  }
0x20: {  	[hbm4b:s5+s3] =	stream.linear.scatter [tilespmem:s12], [sflag:$0x3], $0x2800, $0x38;
	[tilespmem:$0x5100] =	vst v63  }
0x21: {  	_ =	swait.ge [sflag:s9], $0x2800  }
0x22: {  	[sflag:s9] =	ssyncset.done $0x0  }
0x23: {  	[sflag:s9] =	ssyncadd.s32 $0xFFFFD800  }
0x24: {  	[hbm4b:s6+s3] =	stream.linear.scatter [tilespmem:s13], [sflag:$0x3], $0x2800, $0x38;
	[tilespmem:$0x5100] =	vst v63  }
0x25: {  	s19 =	simm.s32 $0xA;
	s20 =	simm.s32 $0x14;
	_ =	swait.ge [sflag:s9], $0x2800  }
0x26: {  	s18 =	sadd.s32 $0x500, s5;
	s17 =	sadd.s32 $0x500, s6;
	[sflag:s9] =	ssyncset.done $0x0  }
.LBB2_2:
0x27: {  	s21 =	sadd.s32 s19, s8  }
0x28: {  	[sflag:s9] =	ssyncadd.s32 $0xFFFFD800;
	s22 =	smov.u32 s20;
	s23 =	sadd.s32 $0xA, s20  }
0x29: {  	[tilespmem:s3], [sflag:$0x3] =	stream.linear.gather [hbm4b:s21+s3], $0x50, $0x38;
	[tilespmem:$0x5100] =	vst v63  }
0x2a: {  	p0 =	sne.s32 s20, $0x4D8;
	_ =	swait.ge [sflag:s9], $0x50  }
0x2b: {  	[sflag:s9] =	ssyncset.done $0x0  }
0x2c: {  	s20 =	sadd.s32 s19, s7;
	s19 =	smov.u32 s22;
	[sflag:s9] =	ssyncadd.s32 $0xFFFFFFB0  }
0x2d: {  	[tilespmem:s10], [sflag:$0x3] =	stream.linear.gather [hbm4b:s20+s3], $0x50, $0x38;
	[tilespmem:$0x5100] =	vst v63  }
0x2e: {  	_ =	swait.ge [sflag:s9], $0x50  }
0x2f: {  	[sflag:s9] =	ssyncset.done $0x0  }
0x30: {  	[sflag:s9] =	ssyncadd.s32 $0xFFFFFFB0  }
0x31: {  	[tilespmem:s12], [sflag:$0x1] =	stream.indirect.gather [hbm4b:s1+s11], $0x80, s3, s11, $0xb8;
	[tilespmem:$0x5100] =	vst v63  }
0x32: {  	_ = 	snop  }
0x33: {  	[tilespmem:s13], [sflag:$0x2] =	stream.indirect.gather [hbm4b:s1+s11], $0x80, s10, s11, $0xb8;
	[tilespmem:$0x5100] =	vst v63  }
0x34: {  	_ =	swait.ge [sflag:s14], $0x2800  }
0x35: {  	[sflag:s14] =	ssyncset.done $0x0  }
0x36: {  	[sflag:s14] =	ssyncadd.s32 $0xFFFFD800  }
0x37: {  	_ =	swait.ge [sflag:s15], $0x2800  }
0x38: {  	[sflag:s15] =	ssyncset.done $0x0  }
0x39: {  	[sflag:s15] =	ssyncadd.s32 $0xFFFFD800  }
0x3a: {  	[hbm4b:s18+s3] =	stream.linear.scatter [tilespmem:s12], [sflag:$0x3], $0x2800, $0x38;
	[tilespmem:$0x5100] =	vst v63  }
0x3b: {  	_ =	swait.ge [sflag:s9], $0x2800  }
.Ltmp0:
0x3c: {  	[sflag:s9] =	ssyncset.done $0x0;
	(pc) =	sbr.rel @p0 .LBB2_2-.Ltmp0, $4  }
0x3d: {  	[sflag:s9] =	ssyncadd.s32 $0xFFFFD800  }
0x3e: {  	[hbm4b:s17+s3] =	stream.linear.scatter [tilespmem:s13], [sflag:$0x3], $0x2800, $0x38;
	[tilespmem:$0x5100] =	vst v63  }
0x3f: {  	s20 =	smov.u32 s23;
	_ =	swait.ge [sflag:s9], $0x2800  }
0x40: {  	s18 =	sadd.s32 $0x500, s18;
	s17 =	sadd.s32 $0x500, s17;
	[sflag:s9] =	ssyncset.done $0x0  }
0x41: {  	s20 =	sadd.s32 s19, s8;
	[sflag:s9] =	ssyncadd.s32 $0xFFFFD800  }
0x42: {  	[tilespmem:s3], [sflag:$0x3] =	stream.linear.gather [hbm4b:s20+s3], $0x50, $0x38;
	[tilespmem:$0x5100] =	vst v63  }
0x43: {  	_ =	swait.ge [sflag:s9], $0x50  }
0x44: {  	[sflag:s9] =	ssyncset.done $0x0  }
0x45: {  	s31 =	sadd.s32 s19, s7;
	[sflag:s9] =	ssyncadd.s32 $0xFFFFFFB0  }
0x46: {  	[tilespmem:s10], [sflag:$0x3] =	stream.linear.gather [hbm4b:s31+s3], $0x50, $0x38;
	[tilespmem:$0x5100] =	vst v63  }
0x47: {  	_ =	swait.ge [sflag:s9], $0x50  }
0x48: {  	[sflag:s9] =	ssyncset.done $0x0  }
0x49: {  	[sflag:s9] =	ssyncadd.s32 $0xFFFFFFB0  }
0x4a: {  	[tilespmem:s12], [sflag:$0x1] =	stream.indirect.gather [hbm4b:s1+s11], $0x80, s3, s11, $0xb8;
	[tilespmem:$0x5100] =	vst v63  }
0x4b: {  	_ = 	snop  }
0x4c: {  	[tilespmem:s13], [sflag:$0x2] =	stream.indirect.gather [hbm4b:s1+s11], $0x80, s10, s11, $0xb8;
	[tilespmem:$0x5100] =	vst v63  }
0x4d: {  	_ =	swait.ge [sflag:s14], $0x2800  }
0x4e: {  	[sflag:s14] =	ssyncset.done $0x0  }
0x4f: {  	[sflag:s14] =	ssyncadd.s32 $0xFFFFD800  }
0x50: {  	_ =	swait.ge [sflag:s15], $0x2800  }
0x51: {  	[sflag:s15] =	ssyncset.done $0x0  }
0x52: {  	[sflag:s15] =	ssyncadd.s32 $0xFFFFD800  }
0x53: {  	[hbm4b:s18+s3] =	stream.linear.scatter [tilespmem:s12], [sflag:$0x3], $0x2800, $0x38;
	[tilespmem:$0x5100] =	vst v63  }
0x54: {  	s16 =	sadd.s32 $0x1, s16;
	_ =	swait.ge [sflag:s9], $0x2800  }
0x55: {  	p0 =	sne.s32 s16, s4;
	[sflag:s9] =	ssyncset.done $0x0  }
.Ltmp1:
0x56: {  	[sflag:s9] =	ssyncadd.s32 $0xFFFFD800;
	(pc) =	sbr.rel @p0 .LBB2_1-.Ltmp1, $4  }
0x57: {  	[hbm4b:s17+s3] =	stream.linear.scatter [tilespmem:s13], [sflag:$0x3], $0x2800, $0x38;
	[tilespmem:$0x5100] =	vst v63  }
0x58: {  	_ =	swait.ge [sflag:s9], $0x2800  }
0x59: {  	[sflag:s9] =	ssyncset.done $0x0  }
0x5a: {  	[sflag:s9] =	ssyncadd.s32 $0xFFFFD800  }
0x5b: {  	_ =	sfence.sel $0x180000  }
0x5c: {  	[bflag:$0x0] =	sbarrier.arrive $0xFFFF  }
0x5d: {  	p0 =	sne.s32 s2, $0x0;
	_ =	strace $0x90000047  }
0x5e: {  	s0 =	sadd.s32 @!p0 $0x100000, s0;
	[bflag:$0x2] =	sbarrier.arrive $0xFFFF  }
0x5f: {  	[sflag:s0] =	ssyncadd.tile.s32 @!p0 $0x1;
	_ =	shalt  }
.Lfunc_end2:
_tile_overlayer_lowered:
.L_overlay_start_2:
0x60: {  	(tag) =	ssettag $0x2  }
0x61: {  	s0 =	rddreg [dreg:$0x0];
	s2 =	stileid.u32  }
0x62: {  	s1 =	rddreg [dreg:$0x1];
	p0 =	sne.s32 s2, $0x0  }
0x63: {  	s3 =	rddreg [dreg:$0x2];
	[bflag:$0x3] =	sbarrier.arrive $0xFFFF;
	s2 =	simm.s32 @!p0 $0x1C03  }
0x64: {  	[timem:s3], [sflag:s2] =	dma.local @!p0 [hbm:s0], s1  }
0x65: {  	s0 =	simm.s32 @!p0 $0x3  }
0x66: {  	_ =	swait.ge @!p0 [sflag:s0], s1  }
0x67: {  	s1 =	ssub.s32 @!p0 $0x0, s1;
	[sflag:s0] =	ssyncset.done @!p0 $0x0  }
0x68: {  	[sflag:s0] =	ssyncadd.s32 @!p0 s1  }
0x69: {  	[bflag:$0x3] =	sbarrier.arrive $0xFFFF  }
0x6a: {  	_ =	shalt  }

</sc_bundles>
